<compile_context>
chip_gen: v7x
topology: tpu7x:2x2x1
jax: 0.10.2.dev20260603
libtpu: 0.0.44.dev20260713+nightly
codegen_flags: <defaults>
</compile_context>

<pallas_src>
import functools

import jax
import jax.numpy as jnp
from jax import lax
from jax.experimental import pallas as pl
from jax.experimental.pallas import tpu as pltpu
from jax.experimental.pallas import tpu_sc as plsc

N = 10000
P = 10112
E = 320000
NC, NS = 2, 16
B = 128
EP = 327680
NB_AGG = EP // (NS * B)
NB_DEG = EP // (NC * NS * B)
NCHUNK = 4
NB_IN = NB_AGG // NCHUNK
NB2 = NB_IN // 2
RPT = P // NS


@functools.cache
def _sc_kernels():
    mesh = plsc.VectorSubcoreMesh(core_axis_name="c", subcore_axis_name="s",
                                  num_cores=NC, num_subcores=NS)

    @functools.partial(
        pl.kernel,
        out_type=jax.ShapeDtypeStruct((NC, P, 128), jnp.float32),
        mesh=mesh,
        scratch_types=[
            pltpu.VMEM((NB_DEG, B), jnp.int32),
            pltpu.VMEM((B, 128), jnp.float32),
            pltpu.VMEM_SHARED((P, 128), jnp.float32),
            pltpu.SemaphoreType.DMA,
        ],
    )
    def deg_kernel(dst_hbm, ones_hbm, zeros_hbm, out_hbm,
                   dst_v, ones_v, acc_sh, sem):
        c = lax.axis_index("c")
        s = lax.axis_index("s")
        pltpu.sync_copy(dst_hbm.at[c, s], dst_v)
        pltpu.sync_copy(ones_hbm, ones_v)
        pltpu.sync_copy(zeros_hbm, acc_sh.at[pl.ds(s * RPT, RPT)])
        plsc.subcore_barrier()

        def body(j, _):
            pltpu.async_copy(ones_v, acc_sh.at[dst_v.at[j]], sem, add=True)
            return 0
        lax.fori_loop(0, NB_DEG, body, 0)

        def drain(j, _):
            pltpu.make_async_copy(ones_v, acc_sh.at[dst_v.at[j]], sem).wait()
            return 0
        lax.fori_loop(0, NB_DEG, drain, 0)

        plsc.subcore_barrier()
        pltpu.sync_copy(acc_sh.at[pl.ds(s * RPT, RPT)],
                        out_hbm.at[c, pl.ds(s * RPT, RPT)])

    @functools.partial(
        pl.kernel,
        out_type=jax.ShapeDtypeStruct((NC, P, 128), jnp.float32),
        mesh=mesh,
        scratch_types=[
            pltpu.VMEM((NB_IN, B), jnp.int32),
            pltpu.VMEM((NB_IN, B), jnp.int32),
            pltpu.VMEM((B, 128), jnp.float32),
            pltpu.VMEM((B, 128), jnp.float32),
            pltpu.VMEM_SHARED((P, 128), jnp.float32),
            pltpu.SemaphoreType.DMA,
            pltpu.SemaphoreType.DMA,
        ],
    )
    def agg_kernel(table_hbm, src_hbm, dst_hbm, out_hbm,
                   src_v, dst_v, buf0, buf1, acc_sh, semg0, semg1):
        c = lax.axis_index("c")
        s = lax.axis_index("s")
        pltpu.sync_copy(table_hbm.at[pl.ds(c * P + s * RPT, RPT)],
                        acc_sh.at[pl.ds(s * RPT, RPT)])
        plsc.subcore_barrier()

        def chunk(ch, _):
            pltpu.sync_copy(src_hbm.at[c, s, ch], src_v)
            pltpu.sync_copy(dst_hbm.at[s, ch], dst_v)
            pltpu.async_copy(table_hbm.at[src_v.at[0]], buf0, semg0)

            def body(k, _):
                j0 = 2 * k
                j1 = j0 + 1
                pltpu.async_copy(table_hbm.at[src_v.at[j1]], buf1, semg1)
                pltpu.make_async_copy(table_hbm.at[src_v.at[j0]],
                                      buf0, semg0).wait()
                pltpu.sync_copy(buf0, acc_sh.at[dst_v.at[j0]], add=True)

                @pl.when(k < NB2 - 1)
                def _():
                    pltpu.async_copy(table_hbm.at[src_v.at[j0 + 2]],
                                     buf0, semg0)
                pltpu.make_async_copy(table_hbm.at[src_v.at[j1]],
                                      buf1, semg1).wait()
                pltpu.sync_copy(buf1, acc_sh.at[dst_v.at[j1]], add=True)
                return 0
            lax.fori_loop(0, NB2, body, 0)
            return 0
        lax.fori_loop(0, NCHUNK, chunk, 0)

        plsc.subcore_barrier()
        pltpu.sync_copy(acc_sh.at[pl.ds(s * RPT, RPT)],
                        out_hbm.at[c, pl.ds(s * RPT, RPT)])

    return deg_kernel, agg_kernel



R = 2528
R_OUT = 2000


def _dinv_of(degp_ref):
    return lax.rsqrt(degp_ref[0, :, 0] + degp_ref[1, :, 0] + 1.0)


def _mm_scale_body(x_ref, w_ref, degp_ref, out_ref):
    dinv = _dinv_of(degp_ref)
    h = jnp.dot(x_ref[...], w_ref[...], preferred_element_type=jnp.float32)
    hp = h * dinv[:, None]
    out_ref[0] = hp[:, :128]
    out_ref[1] = hp[:, 128:]


def _mid_body(agg_ref, degp_ref, b_ref, w_ref, out_ref):
    dinv = _dinv_of(degp_ref)
    h = jnp.concatenate([agg_ref[0], agg_ref[1]], axis=1) * dinv[:, None]
    h = jnp.maximum(h + b_ref[...], 0.0)
    h2 = jnp.dot(h, w_ref[...], preferred_element_type=jnp.float32)
    hp = h2 * dinv[:, None]
    grow = pl.program_id(0) * R + lax.broadcasted_iota(jnp.int32, (R, 1), 0)
    hp = jnp.where(grow < N, hp, 0.0)
    out_ref[0] = hp[:, :128]
    out_ref[1] = hp[:, 128:]


def _out_body(agg_ref, degp_ref, b_ref, out_ref):
    dinv = _dinv_of(degp_ref)
    h = jnp.concatenate([agg_ref[0], agg_ref[1]], axis=1) * dinv[:, None]
    out_ref[...] = jnp.maximum(h + b_ref[...], 0.0)


_mm_call = pl.pallas_call(
    _mm_scale_body,
    grid=(P // R,),
    in_specs=[
        pl.BlockSpec((R, 128), lambda i: (i, 0)),
        pl.BlockSpec((128, 256), lambda i: (0, 0)),
        pl.BlockSpec((2, R, 128), lambda i: (0, i, 0)),
    ],
    out_specs=pl.BlockSpec((2, R, 128), lambda i: (0, i, 0)),
    out_shape=jax.ShapeDtypeStruct((2, P, 128), jnp.float32),
)

_mid_call = pl.pallas_call(
    _mid_body,
    grid=(P // R,),
    in_specs=[
        pl.BlockSpec((2, R, 128), lambda i: (0, i, 0)),
        pl.BlockSpec((2, R, 128), lambda i: (0, i, 0)),
        pl.BlockSpec((1, 256), lambda i: (0, 0)),
        pl.BlockSpec((256, 256), lambda i: (0, 0)),
    ],
    out_specs=pl.BlockSpec((2, R, 128), lambda i: (0, i, 0)),
    out_shape=jax.ShapeDtypeStruct((2, P, 128), jnp.float32),
)

_out_call = pl.pallas_call(
    _out_body,
    grid=(N // R_OUT,),
    in_specs=[
        pl.BlockSpec((2, R_OUT, 128), lambda i: (0, i, 0)),
        pl.BlockSpec((2, R_OUT, 128), lambda i: (0, i, 0)),
        pl.BlockSpec((1, 256), lambda i: (0, 0)),
    ],
    out_specs=pl.BlockSpec((R_OUT, 256), lambda i: (i, 0)),
    out_shape=jax.ShapeDtypeStruct((N, 256), jnp.float32),
)


def kernel(x, edge_index, W1, b1, W2, b2):
    src = edge_index[0].astype(jnp.int32)
    dst = edge_index[1].astype(jnp.int32)
    pad = EP - E
    pad_idx = jnp.arange(pad, dtype=jnp.int32)
    src_p = jnp.concatenate([src, N + pad_idx % (P - N)])
    dst_pa = jnp.concatenate([dst, pad_idx % N])
    dst_pd = jnp.concatenate([dst, N + pad_idx % (P - N)])
    dst_deg = dst_pd.reshape(NC, NS, NB_DEG, B)
    dst_agg = dst_pa.reshape(NS, NCHUNK, NB_IN, B)
    src_agg = jnp.stack([src_p, src_p + P]).reshape(NC, NS, NCHUNK, NB_IN, B)
    xp = jnp.pad(x, ((0, P - N), (0, 0)))

    deg_kernel, agg_kernel = _sc_kernels()
    ones_hbm = jnp.ones((B, 128), jnp.float32)
    zeros_hbm = jnp.zeros((RPT, 128), jnp.float32)
    degp = deg_kernel(dst_deg, ones_hbm, zeros_hbm)
    t1 = _mm_call(xp, W1, degp)
    agg1 = agg_kernel(t1.reshape(NC * P, 128), src_agg, dst_agg)
    t2 = _mid_call(agg1, degp, b1.reshape(1, 256), W2)
    agg2 = agg_kernel(t2.reshape(NC * P, 128), src_agg, dst_agg)
    return _out_call(agg2, degp, b2.reshape(1, 256))

# --- scband reference (transcript-rebuilt; emitter-appended) ---
"""Pipeline reference for scband-graph-encoder-89043261981416 (READ-ONLY COPY).

The authoritative reference and input builder live on the scoring server;
editing this copy changes nothing except your own understanding.
"""

import jax, jax.numpy as jnp
import numpy as np

N_NODES = 10000
N_EDGES = 320000
IN_DIM = 128
HID_DIM = 256
OUT_DIM = 256


def setup_inputs(seed: int = 0) -> dict:
    key = jax.random.key(seed)
    k1, k2, k3, k4, k5, k6 = jax.random.split(key, 6)
    x = jax.random.normal(k1, (N_NODES, IN_DIM), dtype=jnp.float32)
    edge_index = jax.random.randint(k2, (2, N_EDGES), 0, N_NODES, dtype=jnp.int64)
    # GCNConv layer 1: in_dim -> hidden_dim ; layer 2: hidden_dim -> out_dim
    W1 = jax.random.normal(k3, (IN_DIM, HID_DIM), dtype=jnp.float32) * (1.0 / np.sqrt(IN_DIM))
    b1 = jnp.zeros((HID_DIM,), dtype=jnp.float32)
    W2 = jax.random.normal(k4, (HID_DIM, OUT_DIM), dtype=jnp.float32) * (1.0 / np.sqrt(HID_DIM))
    b2 = jnp.zeros((OUT_DIM,), dtype=jnp.float32)
    return {"x": x, "edge_index": edge_index, "W1": W1, "b1": b1, "W2": W2, "b2": b2}


def _gcn_conv(x, src, dst, W, b, num_nodes):
    # PyG GCNConv semantics: add self-loops, symmetric normalization
    loop = jnp.arange(num_nodes, dtype=src.dtype)
    src_sl = jnp.concatenate([src, loop])
    dst_sl = jnp.concatenate([dst, loop])
    deg = jnp.zeros((num_nodes,), dtype=x.dtype).at[dst_sl].add(1.0)
    dinv = jnp.where(deg > 0, 1.0 / jnp.sqrt(deg), 0.0)
    norm = dinv[src_sl] * dinv[dst_sl]
    h = x @ W
    msg = h[src_sl] * norm[:, None]
    out = jnp.zeros((num_nodes, W.shape[1]), dtype=x.dtype).at[dst_sl].add(msg)
    return out + b


def reference(x, edge_index, W1, b1, W2, b2):
    src, dst = edge_index[0], edge_index[1]
    n = x.shape[0]
    h = jax.nn.relu(_gcn_conv(x, src, dst, W1, b1, n))
    h = jax.nn.relu(_gcn_conv(h, src, dst, W2, b2, n))
    return h

if __name__ == "__main__":
    import jax
    _d = setup_inputs()
    print(jax.jit(kernel)(*tuple(_d.values())))

</pallas_src>

<mosaic_0001>
#map = affine_map<(d0, d1) -> (0, 0, 0, 0)>
#map1 = affine_map<(d0, d1) -> (0, 0)>
#map2 = affine_map<(d0, d1) -> (0, 0, 0)>
module attributes {stable_mosaic.version = 14 : i64} {
  func.func @deg_kernel(%arg0: i32, %arg1: i32, %arg2: memref<2x16x80x128xi32, #tpu.memory_space<hbm>>, %arg3: memref<128x128xf32, #tpu.memory_space<hbm>>, %arg4: memref<632x128xf32, #tpu.memory_space<hbm>>, %arg5: memref<2x10112x128xf32, #tpu.memory_space<hbm>>, %arg6: memref<80x128xi32, #tpu.memory_space<vmem>>, %arg7: memref<128x128xf32, #tpu.memory_space<vmem>>, %arg8: memref<10112x128xf32, #tpu.memory_space<vmem_shared>>, %arg9: memref<!tpu.dma_semaphore, #tpu.memory_space<semaphore_mem>>) attributes {dimension_semantics = [#tpu.dimension_semantics<core_parallel>, #tpu.dimension_semantics<subcore_parallel>], iteration_bounds = array<i64: 2, 16>, scalar_prefetch = 0 : i64, scratch_operands = 4 : i64, tpu.core_type = #tpu.core_type<sc_vector_subcore>, window_params = [{transform_indices = #map}, {transform_indices = #map1}, {transform_indices = #map1}, {transform_indices = #map2}]} {
    "tpu.region"() ({
      %run_scoped3A = tpu.sem_alloc : memref<!tpu.dma_semaphore, #tpu.memory_space<semaphore_mem>>
      %dma_start3A = arith.constant 0 : i32
      %dma_start3A_19 = arith.constant 0 : i32
      %dma_start3A_20 = tpu.memref_slice %arg2[%arg0, %arg1, %dma_start3A, %dma_start3A_19] : memref<2x16x80x128xi32, #tpu.memory_space<hbm>> -> memref<1x1x80x128xi32, #tpu.memory_space<hbm>>
      %dma_start3A_21 = tpu.memref_squeeze %dma_start3A_20 : memref<1x1x80x128xi32, #tpu.memory_space<hbm>> -> memref<80x128xi32, #tpu.memory_space<hbm>>
      %dma_start3A_22 = arith.constant 0 : i32
      %dma_start3A_23 = arith.constant 0 : i32
      %dma_start3A_24 = tpu.memref_slice %arg2[%arg0, %arg1, %dma_start3A_22, %dma_start3A_23] : memref<2x16x80x128xi32, #tpu.memory_space<hbm>> -> memref<1x1x80x128xi32, #tpu.memory_space<hbm>>
      %dma_start3A_25 = tpu.memref_squeeze %dma_start3A_24 : memref<1x1x80x128xi32, #tpu.memory_space<hbm>> -> memref<80x128xi32, #tpu.memory_space<hbm>>
      tpu.enqueue_dma source(%dma_start3A_25 : memref<80x128xi32, #tpu.memory_space<hbm>>) target(%arg6 : memref<80x128xi32, #tpu.memory_space<vmem>>) target_semaphore(%run_scoped3A : memref<!tpu.dma_semaphore, #tpu.memory_space<semaphore_mem>>)
      %dma_wait3A = arith.constant 0 : i32
      %dma_wait3A_26 = arith.constant 0 : i32
      %dma_wait3A_27 = tpu.memref_slice %arg2[%arg0, %arg1, %dma_wait3A, %dma_wait3A_26] : memref<2x16x80x128xi32, #tpu.memory_space<hbm>> -> memref<1x1x80x128xi32, #tpu.memory_space<hbm>>
      %dma_wait3A_28 = tpu.memref_squeeze %dma_wait3A_27 : memref<1x1x80x128xi32, #tpu.memory_space<hbm>> -> memref<80x128xi32, #tpu.memory_space<hbm>>
      %dma_wait3A_29 = arith.constant 0 : i32
      %dma_wait3A_30 = arith.constant 0 : i32
      %dma_wait3A_31 = tpu.memref_slice %arg2[%arg0, %arg1, %dma_wait3A_29, %dma_wait3A_30] : memref<2x16x80x128xi32, #tpu.memory_space<hbm>> -> memref<1x1x80x128xi32, #tpu.memory_space<hbm>>
      %dma_wait3A_32 = tpu.memref_squeeze %dma_wait3A_31 : memref<1x1x80x128xi32, #tpu.memory_space<hbm>> -> memref<80x128xi32, #tpu.memory_space<hbm>>
      tpu.wait_dma2 semaphore(%run_scoped3A : memref<!tpu.dma_semaphore, #tpu.memory_space<semaphore_mem>>) src(%dma_wait3A_32 : memref<80x128xi32, #tpu.memory_space<hbm>>) dst(%arg6 : memref<80x128xi32, #tpu.memory_space<vmem>>)
      tpu.yield
    }) : () -> ()
    "tpu.region"() ({
      %run_scoped3A = tpu.sem_alloc : memref<!tpu.dma_semaphore, #tpu.memory_space<semaphore_mem>>
      tpu.enqueue_dma source(%arg3 : memref<128x128xf32, #tpu.memory_space<hbm>>) target(%arg7 : memref<128x128xf32, #tpu.memory_space<vmem>>) target_semaphore(%run_scoped3A : memref<!tpu.dma_semaphore, #tpu.memory_space<semaphore_mem>>)
      tpu.wait_dma2 semaphore(%run_scoped3A : memref<!tpu.dma_semaphore, #tpu.memory_space<semaphore_mem>>) src(%arg3 : memref<128x128xf32, #tpu.memory_space<hbm>>) dst(%arg7 : memref<128x128xf32, #tpu.memory_space<vmem>>)
      tpu.yield
    }) : () -> ()
    %mul3A = arith.constant 632 : i32
    %mul3A_0 = arith.muli %arg1, %mul3A : i32
    "tpu.region"() ({
      %run_scoped3A = tpu.sem_alloc : memref<!tpu.dma_semaphore, #tpu.memory_space<semaphore_mem>>
      %dma_start3A = arith.constant 0 : i32
      %dma_start3A_19 = tpu.memref_slice %arg8[%mul3A_0, %dma_start3A] : memref<10112x128xf32, #tpu.memory_space<vmem_shared>> -> memref<632x128xf32, #tpu.memory_space<vmem_shared>>
      tpu.enqueue_dma source(%arg4 : memref<632x128xf32, #tpu.memory_space<hbm>>) target(%dma_start3A_19 : memref<632x128xf32, #tpu.memory_space<vmem_shared>>) target_semaphore(%run_scoped3A : memref<!tpu.dma_semaphore, #tpu.memory_space<semaphore_mem>>)
      %dma_wait3A = arith.constant 0 : i32
      %dma_wait3A_20 = tpu.memref_slice %arg8[%mul3A_0, %dma_wait3A] : memref<10112x128xf32, #tpu.memory_space<vmem_shared>> -> memref<632x128xf32, #tpu.memory_space<vmem_shared>>
      tpu.wait_dma2 semaphore(%run_scoped3A : memref<!tpu.dma_semaphore, #tpu.memory_space<semaphore_mem>>) src(%arg4 : memref<632x128xf32, #tpu.memory_space<hbm>>) dst(%dma_wait3A_20 : memref<632x128xf32, #tpu.memory_space<vmem_shared>>)
      tpu.yield
    }) : () -> ()
    %barrier3A = arith.constant 0 : index
    tpu.barrier barrier_id(%barrier3A)
    %scan3A = arith.constant 0 : i32
    %scan3A_1 = arith.constant 0 : i32
    %scan3A_2 = arith.constant 80 : i32
    %scan3A_3 = arith.addi %scan3A_1, %scan3A_2 : i32
    %scan3A_4 = arith.constant 1 : i32
    %scan3A_5 = scf.for %scan3A_19 = %scan3A_1 to %scan3A_3 step %scan3A_4 iter_args(%scan3A_20 = %scan3A) -> (i32)  : i32 {
      %dma_start3A = arith.constant 0 : i32
      %dma_start3A_21 = tpu.memref_slice %arg6[%scan3A_19, %dma_start3A] : memref<80x128xi32, #tpu.memory_space<vmem>> -> memref<1x128xi32, #tpu.memory_space<vmem>>
      %dma_start3A_22 = tpu.memref_squeeze %dma_start3A_21 : memref<1x128xi32, #tpu.memory_space<vmem>> -> memref<128xi32, #tpu.memory_space<vmem>>
      %dma_start3A_23 = arith.constant 0 : i32
      %dma_start3A_24 = arith.constant 0 : i32
      %dma_start3A_25 = tpu.memref_slice %arg8[%dma_start3A_23, %dma_start3A_24] : memref<10112x128xf32, #tpu.memory_space<vmem_shared>> -> memref<10112x128xf32, #tpu.memory_space<vmem_shared>>
      tpu.enqueue_indirect_dma source(%arg7 : memref<128x128xf32, #tpu.memory_space<vmem>>) target(%dma_start3A_25 : memref<10112x128xf32, #tpu.memory_space<vmem_shared>>) offsets(%dma_start3A_22 : memref<128xi32, #tpu.memory_space<vmem>>) semaphore(%arg9 : memref<!tpu.dma_semaphore, #tpu.memory_space<semaphore_mem>>) {add = true}
      %scan3A_26 = arith.constant 0 : i32
      scf.yield %scan3A_26 : i32
    }
    %scan3A_6 = arith.constant 80 : i32
    %scan3A_7 = arith.constant 0 : i32
    %scan3A_8 = arith.constant 0 : i32
    %scan3A_9 = arith.constant 80 : i32
    %scan3A_10 = arith.addi %scan3A_8, %scan3A_9 : i32
    %scan3A_11 = arith.constant 1 : i32
    %scan3A_12 = scf.for %scan3A_19 = %scan3A_8 to %scan3A_10 step %scan3A_11 iter_args(%scan3A_20 = %scan3A_7) -> (i32)  : i32 {
      %dma_wait3A = arith.constant 0 : i32
      %dma_wait3A_21 = tpu.memref_slice %arg6[%scan3A_19, %dma_wait3A] : memref<80x128xi32, #tpu.memory_space<vmem>> -> memref<1x128xi32, #tpu.memory_space<vmem>>
      %dma_wait3A_22 = tpu.memref_squeeze %dma_wait3A_21 : memref<1x128xi32, #tpu.memory_space<vmem>> -> memref<128xi32, #tpu.memory_space<vmem>>
      %dma_wait3A_23 = arith.constant 0 : i32
      %dma_wait3A_24 = arith.constant 0 : i32
      %dma_wait3A_25 = tpu.memref_slice %arg8[%dma_wait3A_23, %dma_wait3A_24] : memref<10112x128xf32, #tpu.memory_space<vmem_shared>> -> memref<10112x128xf32, #tpu.memory_space<vmem_shared>>
      tpu.wait_indirect_dma semaphore(%arg9 : memref<!tpu.dma_semaphore, #tpu.memory_space<semaphore_mem>>) src(%arg7 : memref<128x128xf32, #tpu.memory_space<vmem>>) dst(%dma_wait3A_25 : memref<10112x128xf32, #tpu.memory_space<vmem_shared>>)
      %scan3A_26 = arith.constant 0 : i32
      scf.yield %scan3A_26 : i32
    }
    %scan3A_13 = arith.constant 80 : i32
    %barrier3A_14 = arith.constant 0 : index
    tpu.barrier barrier_id(%barrier3A_14)
    %mul3A_15 = arith.constant 632 : i32
    %mul3A_16 = arith.muli %arg1, %mul3A_15 : i32
    %mul3A_17 = arith.constant 632 : i32
    %mul3A_18 = arith.muli %arg1, %mul3A_17 : i32
    "tpu.region"() ({
      %run_scoped3A = tpu.sem_alloc : memref<!tpu.dma_semaphore, #tpu.memory_space<semaphore_mem>>
      %dma_start3A = arith.constant 0 : i32
      %dma_start3A_19 = tpu.memref_slice %arg5[%arg0, %mul3A_18, %dma_start3A] : memref<2x10112x128xf32, #tpu.memory_space<hbm>> -> memref<1x632x128xf32, #tpu.memory_space<hbm>>
      %dma_start3A_20 = tpu.memref_squeeze %dma_start3A_19 : memref<1x632x128xf32, #tpu.memory_space<hbm>> -> memref<632x128xf32, #tpu.memory_space<hbm>>
      %dma_start3A_21 = arith.constant 0 : i32
      %dma_start3A_22 = tpu.memref_slice %arg8[%mul3A_16, %dma_start3A_21] : memref<10112x128xf32, #tpu.memory_space<vmem_shared>> -> memref<632x128xf32, #tpu.memory_space<vmem_shared>>
      tpu.enqueue_dma source(%dma_start3A_22 : memref<632x128xf32, #tpu.memory_space<vmem_shared>>) target(%dma_start3A_20 : memref<632x128xf32, #tpu.memory_space<hbm>>) target_semaphore(%run_scoped3A : memref<!tpu.dma_semaphore, #tpu.memory_space<semaphore_mem>>)
      %dma_wait3A = arith.constant 0 : i32
      %dma_wait3A_23 = tpu.memref_slice %arg5[%arg0, %mul3A_18, %dma_wait3A] : memref<2x10112x128xf32, #tpu.memory_space<hbm>> -> memref<1x632x128xf32, #tpu.memory_space<hbm>>
      %dma_wait3A_24 = tpu.memref_squeeze %dma_wait3A_23 : memref<1x632x128xf32, #tpu.memory_space<hbm>> -> memref<632x128xf32, #tpu.memory_space<hbm>>
      %dma_wait3A_25 = arith.constant 0 : i32
      %dma_wait3A_26 = tpu.memref_slice %arg8[%mul3A_16, %dma_wait3A_25] : memref<10112x128xf32, #tpu.memory_space<vmem_shared>> -> memref<632x128xf32, #tpu.memory_space<vmem_shared>>
      tpu.wait_dma2 semaphore(%run_scoped3A : memref<!tpu.dma_semaphore, #tpu.memory_space<semaphore_mem>>) src(%dma_wait3A_26 : memref<632x128xf32, #tpu.memory_space<vmem_shared>>) dst(%dma_wait3A_24 : memref<632x128xf32, #tpu.memory_space<hbm>>)
      tpu.yield
    }) : () -> ()
    return
  }
}

#map = affine_map<(d0, d1) -> (0, 0)>
#map1 = affine_map<(d0, d1) -> (0, 0, 0, 0, 0)>
#map2 = affine_map<(d0, d1) -> (0, 0, 0, 0)>
#map3 = affine_map<(d0, d1) -> (0, 0, 0)>
module attributes {stable_mosaic.version = 14 : i64} {
  func.func @agg_kernel(%arg0: i32, %arg1: i32, %arg2: memref<20224x128xf32, #tpu.memory_space<hbm>>, %arg3: memref<2x16x4x40x128xi32, #tpu.memory_space<hbm>>, %arg4: memref<16x4x40x128xi32, #tpu.memory_space<hbm>>, %arg5: memref<2x10112x128xf32, #tpu.memory_space<hbm>>, %arg6: memref<40x128xi32, #tpu.memory_space<vmem>>, %arg7: memref<40x128xi32, #tpu.memory_space<vmem>>, %arg8: memref<128x128xf32, #tpu.memory_space<vmem>>, %arg9: memref<128x128xf32, #tpu.memory_space<vmem>>, %arg10: memref<10112x128xf32, #tpu.memory_space<vmem_shared>>, %arg11: memref<!tpu.dma_semaphore, #tpu.memory_space<semaphore_mem>>, %arg12: memref<!tpu.dma_semaphore, #tpu.memory_space<semaphore_mem>>) attributes {dimension_semantics = [#tpu.dimension_semantics<core_parallel>, #tpu.dimension_semantics<subcore_parallel>], iteration_bounds = array<i64: 2, 16>, scalar_prefetch = 0 : i64, scratch_operands = 7 : i64, tpu.core_type = #tpu.core_type<sc_vector_subcore>, window_params = [{transform_indices = #map}, {transform_indices = #map1}, {transform_indices = #map2}, {transform_indices = #map3}]} {
    %mul3A = arith.constant 10112 : i32
    %mul3A_0 = arith.muli %arg0, %mul3A : i32
    %mul3A_1 = arith.constant 632 : i32
    %mul3A_2 = arith.muli %arg1, %mul3A_1 : i32
    %add3A = arith.addi %mul3A_0, %mul3A_2 : i32
    %mul3A_3 = arith.constant 632 : i32
    %mul3A_4 = arith.muli %arg1, %mul3A_3 : i32
    "tpu.region"() ({
      %run_scoped3A = tpu.sem_alloc : memref<!tpu.dma_semaphore, #tpu.memory_space<semaphore_mem>>
      %dma_start3A = arith.constant 0 : i32
      %dma_start3A_16 = tpu.memref_slice %arg10[%mul3A_4, %dma_start3A] : memref<10112x128xf32, #tpu.memory_space<vmem_shared>> -> memref<632x128xf32, #tpu.memory_space<vmem_shared>>
      %dma_start3A_17 = arith.constant 0 : i32
      %dma_start3A_18 = tpu.memref_slice %arg2[%add3A, %dma_start3A_17] : memref<20224x128xf32, #tpu.memory_space<hbm>> -> memref<632x128xf32, #tpu.memory_space<hbm>>
      tpu.enqueue_dma source(%dma_start3A_18 : memref<632x128xf32, #tpu.memory_space<hbm>>) target(%dma_start3A_16 : memref<632x128xf32, #tpu.memory_space<vmem_shared>>) target_semaphore(%run_scoped3A : memref<!tpu.dma_semaphore, #tpu.memory_space<semaphore_mem>>)
      %dma_wait3A = arith.constant 0 : i32
      %dma_wait3A_19 = tpu.memref_slice %arg10[%mul3A_4, %dma_wait3A] : memref<10112x128xf32, #tpu.memory_space<vmem_shared>> -> memref<632x128xf32, #tpu.memory_space<vmem_shared>>
      %dma_wait3A_20 = arith.constant 0 : i32
      %dma_wait3A_21 = tpu.memref_slice %arg2[%add3A, %dma_wait3A_20] : memref<20224x128xf32, #tpu.memory_space<hbm>> -> memref<632x128xf32, #tpu.memory_space<hbm>>
      tpu.wait_dma2 semaphore(%run_scoped3A : memref<!tpu.dma_semaphore, #tpu.memory_space<semaphore_mem>>) src(%dma_wait3A_21 : memref<632x128xf32, #tpu.memory_space<hbm>>) dst(%dma_wait3A_19 : memref<632x128xf32, #tpu.memory_space<vmem_shared>>)
      tpu.yield
    }) : () -> ()
    %barrier3A = arith.constant 0 : index
    tpu.barrier barrier_id(%barrier3A)
    %scan3A = arith.constant 0 : i32
    %scan3A_5 = arith.constant 0 : i32
    %scan3A_6 = arith.constant 4 : i32
    %scan3A_7 = arith.addi %scan3A_5, %scan3A_6 : i32
    %scan3A_8 = arith.constant 1 : i32
    %scan3A_9 = scf.for %scan3A_16 = %scan3A_5 to %scan3A_7 step %scan3A_8 iter_args(%scan3A_17 = %scan3A) -> (i32)  : i32 {
      "tpu.region"() ({
        %run_scoped3A = tpu.sem_alloc : memref<!tpu.dma_semaphore, #tpu.memory_space<semaphore_mem>>
        %dma_start3A_32 = arith.constant 0 : i32
        %dma_start3A_33 = arith.constant 0 : i32
        %dma_start3A_34 = tpu.memref_slice %arg3[%arg0, %arg1, %scan3A_16, %dma_start3A_32, %dma_start3A_33] : memref<2x16x4x40x128xi32, #tpu.memory_space<hbm>> -> memref<1x1x1x40x128xi32, #tpu.memory_space<hbm>>
        %dma_start3A_35 = tpu.memref_squeeze %dma_start3A_34 : memref<1x1x1x40x128xi32, #tpu.memory_space<hbm>> -> memref<40x128xi32, #tpu.memory_space<hbm>>
        %dma_start3A_36 = arith.constant 0 : i32
        %dma_start3A_37 = arith.constant 0 : i32
        %dma_start3A_38 = tpu.memref_slice %arg3[%arg0, %arg1, %scan3A_16, %dma_start3A_36, %dma_start3A_37] : memref<2x16x4x40x128xi32, #tpu.memory_space<hbm>> -> memref<1x1x1x40x128xi32, #tpu.memory_space<hbm>>
        %dma_start3A_39 = tpu.memref_squeeze %dma_start3A_38 : memref<1x1x1x40x128xi32, #tpu.memory_space<hbm>> -> memref<40x128xi32, #tpu.memory_space<hbm>>
        tpu.enqueue_dma source(%dma_start3A_39 : memref<40x128xi32, #tpu.memory_space<hbm>>) target(%arg6 : memref<40x128xi32, #tpu.memory_space<vmem>>) target_semaphore(%run_scoped3A : memref<!tpu.dma_semaphore, #tpu.memory_space<semaphore_mem>>)
        %dma_wait3A = arith.constant 0 : i32
        %dma_wait3A_40 = arith.constant 0 : i32
        %dma_wait3A_41 = tpu.memref_slice %arg3[%arg0, %arg1, %scan3A_16, %dma_wait3A, %dma_wait3A_40] : memref<2x16x4x40x128xi32, #tpu.memory_space<hbm>> -> memref<1x1x1x40x128xi32, #tpu.memory_space<hbm>>
        %dma_wait3A_42 = tpu.memref_squeeze %dma_wait3A_41 : memref<1x1x1x40x128xi32, #tpu.memory_space<hbm>> -> memref<40x128xi32, #tpu.memory_space<hbm>>
        %dma_wait3A_43 = arith.constant 0 : i32
        %dma_wait3A_44 = arith.constant 0 : i32
        %dma_wait3A_45 = tpu.memref_slice %arg3[%arg0, %arg1, %scan3A_16, %dma_wait3A_43, %dma_wait3A_44] : memref<2x16x4x40x128xi32, #tpu.memory_space<hbm>> -> memref<1x1x1x40x128xi32, #tpu.memory_space<hbm>>
        %dma_wait3A_46 = tpu.memref_squeeze %dma_wait3A_45 : memref<1x1x1x40x128xi32, #tpu.memory_space<hbm>> -> memref<40x128xi32, #tpu.memory_space<hbm>>
        tpu.wait_dma2 semaphore(%run_scoped3A : memref<!tpu.dma_semaphore, #tpu.memory_space<semaphore_mem>>) src(%dma_wait3A_46 : memref<40x128xi32, #tpu.memory_space<hbm>>) dst(%arg6 : memref<40x128xi32, #tpu.memory_space<vmem>>)
        tpu.yield
      }) : () -> ()
      "tpu.region"() ({
        %run_scoped3A = tpu.sem_alloc : memref<!tpu.dma_semaphore, #tpu.memory_space<semaphore_mem>>
        %dma_start3A_32 = arith.constant 0 : i32
        %dma_start3A_33 = arith.constant 0 : i32
        %dma_start3A_34 = tpu.memref_slice %arg4[%arg1, %scan3A_16, %dma_start3A_32, %dma_start3A_33] : memref<16x4x40x128xi32, #tpu.memory_space<hbm>> -> memref<1x1x40x128xi32, #tpu.memory_space<hbm>>
        %dma_start3A_35 = tpu.memref_squeeze %dma_start3A_34 : memref<1x1x40x128xi32, #tpu.memory_space<hbm>> -> memref<40x128xi32, #tpu.memory_space<hbm>>
        %dma_start3A_36 = arith.constant 0 : i32
        %dma_start3A_37 = arith.constant 0 : i32
        %dma_start3A_38 = tpu.memref_slice %arg4[%arg1, %scan3A_16, %dma_start3A_36, %dma_start3A_37] : memref<16x4x40x128xi32, #tpu.memory_space<hbm>> -> memref<1x1x40x128xi32, #tpu.memory_space<hbm>>
        %dma_start3A_39 = tpu.memref_squeeze %dma_start3A_38 : memref<1x1x40x128xi32, #tpu.memory_space<hbm>> -> memref<40x128xi32, #tpu.memory_space<hbm>>
        tpu.enqueue_dma source(%dma_start3A_39 : memref<40x128xi32, #tpu.memory_space<hbm>>) target(%arg7 : memref<40x128xi32, #tpu.memory_space<vmem>>) target_semaphore(%run_scoped3A : memref<!tpu.dma_semaphore, #tpu.memory_space<semaphore_mem>>)
        %dma_wait3A = arith.constant 0 : i32
        %dma_wait3A_40 = arith.constant 0 : i32
        %dma_wait3A_41 = tpu.memref_slice %arg4[%arg1, %scan3A_16, %dma_wait3A, %dma_wait3A_40] : memref<16x4x40x128xi32, #tpu.memory_space<hbm>> -> memref<1x1x40x128xi32, #tpu.memory_space<hbm>>
        %dma_wait3A_42 = tpu.memref_squeeze %dma_wait3A_41 : memref<1x1x40x128xi32, #tpu.memory_space<hbm>> -> memref<40x128xi32, #tpu.memory_space<hbm>>
        %dma_wait3A_43 = arith.constant 0 : i32
        %dma_wait3A_44 = arith.constant 0 : i32
        %dma_wait3A_45 = tpu.memref_slice %arg4[%arg1, %scan3A_16, %dma_wait3A_43, %dma_wait3A_44] : memref<16x4x40x128xi32, #tpu.memory_space<hbm>> -> memref<1x1x40x128xi32, #tpu.memory_space<hbm>>
        %dma_wait3A_46 = tpu.memref_squeeze %dma_wait3A_45 : memref<1x1x40x128xi32, #tpu.memory_space<hbm>> -> memref<40x128xi32, #tpu.memory_space<hbm>>
        tpu.wait_dma2 semaphore(%run_scoped3A : memref<!tpu.dma_semaphore, #tpu.memory_space<semaphore_mem>>) src(%dma_wait3A_46 : memref<40x128xi32, #tpu.memory_space<hbm>>) dst(%arg7 : memref<40x128xi32, #tpu.memory_space<vmem>>)
        tpu.yield
      }) : () -> ()
      %dma_start3A = arith.constant 0 : i32
      %dma_start3A_18 = arith.constant 0 : i32
      %dma_start3A_19 = tpu.memref_slice %arg6[%dma_start3A, %dma_start3A_18] : memref<40x128xi32, #tpu.memory_space<vmem>> -> memref<1x128xi32, #tpu.memory_space<vmem>>
      %dma_start3A_20 = tpu.memref_squeeze %dma_start3A_19 : memref<1x128xi32, #tpu.memory_space<vmem>> -> memref<128xi32, #tpu.memory_space<vmem>>
      %dma_start3A_21 = arith.constant 0 : i32
      %dma_start3A_22 = arith.constant 0 : i32
      %dma_start3A_23 = tpu.memref_slice %arg2[%dma_start3A_21, %dma_start3A_22] : memref<20224x128xf32, #tpu.memory_space<hbm>> -> memref<20224x128xf32, #tpu.memory_space<hbm>>
      tpu.enqueue_indirect_dma source(%dma_start3A_23 : memref<20224x128xf32, #tpu.memory_space<hbm>>) target(%arg8 : memref<128x128xf32, #tpu.memory_space<vmem>>) offsets(%dma_start3A_20 : memref<128xi32, #tpu.memory_space<vmem>>) semaphore(%arg11 : memref<!tpu.dma_semaphore, #tpu.memory_space<semaphore_mem>>)
      %scan3A_24 = arith.constant 0 : i32
      %scan3A_25 = arith.constant 0 : i32
      %scan3A_26 = arith.constant 20 : i32
      %scan3A_27 = arith.addi %scan3A_25, %scan3A_26 : i32
      %scan3A_28 = arith.constant 1 : i32
      %scan3A_29 = scf.for %scan3A_32 = %scan3A_25 to %scan3A_27 step %scan3A_28 iter_args(%scan3A_33 = %scan3A_24) -> (i32)  : i32 {
        %mul3A_34 = arith.constant 2 : i32
        %mul3A_35 = arith.muli %mul3A_34, %scan3A_32 : i32
        %add3A_36 = arith.constant 1 : i32
        %add3A_37 = arith.addi %mul3A_35, %add3A_36 : i32
        %dma_start3A_38 = arith.constant 0 : i32
        %dma_start3A_39 = tpu.memref_slice %arg6[%add3A_37, %dma_start3A_38] : memref<40x128xi32, #tpu.memory_space<vmem>> -> memref<1x128xi32, #tpu.memory_space<vmem>>
        %dma_start3A_40 = tpu.memref_squeeze %dma_start3A_39 : memref<1x128xi32, #tpu.memory_space<vmem>> -> memref<128xi32, #tpu.memory_space<vmem>>
        %dma_start3A_41 = arith.constant 0 : i32
        %dma_start3A_42 = arith.constant 0 : i32
        %dma_start3A_43 = tpu.memref_slice %arg2[%dma_start3A_41, %dma_start3A_42] : memref<20224x128xf32, #tpu.memory_space<hbm>> -> memref<20224x128xf32, #tpu.memory_space<hbm>>
        tpu.enqueue_indirect_dma source(%dma_start3A_43 : memref<20224x128xf32, #tpu.memory_space<hbm>>) target(%arg9 : memref<128x128xf32, #tpu.memory_space<vmem>>) offsets(%dma_start3A_40 : memref<128xi32, #tpu.memory_space<vmem>>) semaphore(%arg12 : memref<!tpu.dma_semaphore, #tpu.memory_space<semaphore_mem>>)
        %dma_wait3A = arith.constant 0 : i32
        %dma_wait3A_44 = tpu.memref_slice %arg6[%mul3A_35, %dma_wait3A] : memref<40x128xi32, #tpu.memory_space<vmem>> -> memref<1x128xi32, #tpu.memory_space<vmem>>
        %dma_wait3A_45 = tpu.memref_squeeze %dma_wait3A_44 : memref<1x128xi32, #tpu.memory_space<vmem>> -> memref<128xi32, #tpu.memory_space<vmem>>
        %dma_wait3A_46 = arith.constant 0 : i32
        %dma_wait3A_47 = arith.constant 0 : i32
        %dma_wait3A_48 = tpu.memref_slice %arg2[%dma_wait3A_46, %dma_wait3A_47] : memref<20224x128xf32, #tpu.memory_space<hbm>> -> memref<20224x128xf32, #tpu.memory_space<hbm>>
        tpu.wait_indirect_dma semaphore(%arg11 : memref<!tpu.dma_semaphore, #tpu.memory_space<semaphore_mem>>) src(%dma_wait3A_48 : memref<20224x128xf32, #tpu.memory_space<hbm>>) dst(%arg8 : memref<128x128xf32, #tpu.memory_space<vmem>>)
        "tpu.region"() ({
          %run_scoped3A = tpu.sem_alloc : memref<!tpu.dma_semaphore, #tpu.memory_space<semaphore_mem>>
          %dma_start3A_58 = arith.constant 0 : i32
          %dma_start3A_59 = tpu.memref_slice %arg7[%mul3A_35, %dma_start3A_58] : memref<40x128xi32, #tpu.memory_space<vmem>> -> memref<1x128xi32, #tpu.memory_space<vmem>>
          %dma_start3A_60 = tpu.memref_squeeze %dma_start3A_59 : memref<1x128xi32, #tpu.memory_space<vmem>> -> memref<128xi32, #tpu.memory_space<vmem>>
          %dma_start3A_61 = arith.constant 0 : i32
          %dma_start3A_62 = arith.constant 0 : i32
          %dma_start3A_63 = tpu.memref_slice %arg10[%dma_start3A_61, %dma_start3A_62] : memref<10112x128xf32, #tpu.memory_space<vmem_shared>> -> memref<10112x128xf32, #tpu.memory_space<vmem_shared>>
          tpu.enqueue_indirect_dma source(%arg8 : memref<128x128xf32, #tpu.memory_space<vmem>>) target(%dma_start3A_63 : memref<10112x128xf32, #tpu.memory_space<vmem_shared>>) offsets(%dma_start3A_60 : memref<128xi32, #tpu.memory_space<vmem>>) semaphore(%run_scoped3A : memref<!tpu.dma_semaphore, #tpu.memory_space<semaphore_mem>>) {add = true}
          %dma_wait3A_64 = arith.constant 0 : i32
          %dma_wait3A_65 = tpu.memref_slice %arg7[%mul3A_35, %dma_wait3A_64] : memref<40x128xi32, #tpu.memory_space<vmem>> -> memref<1x128xi32, #tpu.memory_space<vmem>>
          %dma_wait3A_66 = tpu.memref_squeeze %dma_wait3A_65 : memref<1x128xi32, #tpu.memory_space<vmem>> -> memref<128xi32, #tpu.memory_space<vmem>>
          %dma_wait3A_67 = arith.constant 0 : i32
          %dma_wait3A_68 = arith.constant 0 : i32
          %dma_wait3A_69 = tpu.memref_slice %arg10[%dma_wait3A_67, %dma_wait3A_68] : memref<10112x128xf32, #tpu.memory_space<vmem_shared>> -> memref<10112x128xf32, #tpu.memory_space<vmem_shared>>
          tpu.wait_indirect_dma semaphore(%run_scoped3A : memref<!tpu.dma_semaphore, #tpu.memory_space<semaphore_mem>>) src(%arg8 : memref<128x128xf32, #tpu.memory_space<vmem>>) dst(%dma_wait3A_69 : memref<10112x128xf32, #tpu.memory_space<vmem_shared>>)
          tpu.yield
        }) : () -> ()
        %lt3A = arith.constant 19 : i32
        %lt3A_49 = arith.cmpi slt, %scan3A_32, %lt3A : i32
        %convert_element_type3A = arith.extui %lt3A_49 : i1 to i32
        %cond3A = arith.constant 0 : i32
        %cond3A_50 = arith.cmpi ne, %convert_element_type3A, %cond3A : i32
        scf.if %cond3A_50 {
          %add3A_58 = arith.constant 2 : i32
          %add3A_59 = arith.addi %mul3A_35, %add3A_58 : i32
          %dma_start3A_60 = arith.constant 0 : i32
          %dma_start3A_61 = tpu.memref_slice %arg6[%add3A_59, %dma_start3A_60] : memref<40x128xi32, #tpu.memory_space<vmem>> -> memref<1x128xi32, #tpu.memory_space<vmem>>
          %dma_start3A_62 = tpu.memref_squeeze %dma_start3A_61 : memref<1x128xi32, #tpu.memory_space<vmem>> -> memref<128xi32, #tpu.memory_space<vmem>>
          %dma_start3A_63 = arith.constant 0 : i32
          %dma_start3A_64 = arith.constant 0 : i32
          %dma_start3A_65 = tpu.memref_slice %arg2[%dma_start3A_63, %dma_start3A_64] : memref<20224x128xf32, #tpu.memory_space<hbm>> -> memref<20224x128xf32, #tpu.memory_space<hbm>>
          tpu.enqueue_indirect_dma source(%dma_start3A_65 : memref<20224x128xf32, #tpu.memory_space<hbm>>) target(%arg8 : memref<128x128xf32, #tpu.memory_space<vmem>>) offsets(%dma_start3A_62 : memref<128xi32, #tpu.memory_space<vmem>>) semaphore(%arg11 : memref<!tpu.dma_semaphore, #tpu.memory_space<semaphore_mem>>)
        } else {
        }
        %dma_wait3A_51 = arith.constant 0 : i32
        %dma_wait3A_52 = tpu.memref_slice %arg6[%add3A_37, %dma_wait3A_51] : memref<40x128xi32, #tpu.memory_space<vmem>> -> memref<1x128xi32, #tpu.memory_space<vmem>>
        %dma_wait3A_53 = tpu.memref_squeeze %dma_wait3A_52 : memref<1x128xi32, #tpu.memory_space<vmem>> -> memref<128xi32, #tpu.memory_space<vmem>>
        %dma_wait3A_54 = arith.constant 0 : i32
        %dma_wait3A_55 = arith.constant 0 : i32
        %dma_wait3A_56 = tpu.memref_slice %arg2[%dma_wait3A_54, %dma_wait3A_55] : memref<20224x128xf32, #tpu.memory_space<hbm>> -> memref<20224x128xf32, #tpu.memory_space<hbm>>
        tpu.wait_indirect_dma semaphore(%arg12 : memref<!tpu.dma_semaphore, #tpu.memory_space<semaphore_mem>>) src(%dma_wait3A_56 : memref<20224x128xf32, #tpu.memory_space<hbm>>) dst(%arg9 : memref<128x128xf32, #tpu.memory_space<vmem>>)
        "tpu.region"() ({
          %run_scoped3A = tpu.sem_alloc : memref<!tpu.dma_semaphore, #tpu.memory_space<semaphore_mem>>
          %dma_start3A_58 = arith.constant 0 : i32
          %dma_start3A_59 = tpu.memref_slice %arg7[%add3A_37, %dma_start3A_58] : memref<40x128xi32, #tpu.memory_space<vmem>> -> memref<1x128xi32, #tpu.memory_space<vmem>>
          %dma_start3A_60 = tpu.memref_squeeze %dma_start3A_59 : memref<1x128xi32, #tpu.memory_space<vmem>> -> memref<128xi32, #tpu.memory_space<vmem>>
          %dma_start3A_61 = arith.constant 0 : i32
          %dma_start3A_62 = arith.constant 0 : i32
          %dma_start3A_63 = tpu.memref_slice %arg10[%dma_start3A_61, %dma_start3A_62] : memref<10112x128xf32, #tpu.memory_space<vmem_shared>> -> memref<10112x128xf32, #tpu.memory_space<vmem_shared>>
          tpu.enqueue_indirect_dma source(%arg9 : memref<128x128xf32, #tpu.memory_space<vmem>>) target(%dma_start3A_63 : memref<10112x128xf32, #tpu.memory_space<vmem_shared>>) offsets(%dma_start3A_60 : memref<128xi32, #tpu.memory_space<vmem>>) semaphore(%run_scoped3A : memref<!tpu.dma_semaphore, #tpu.memory_space<semaphore_mem>>) {add = true}
          %dma_wait3A_64 = arith.constant 0 : i32
          %dma_wait3A_65 = tpu.memref_slice %arg7[%add3A_37, %dma_wait3A_64] : memref<40x128xi32, #tpu.memory_space<vmem>> -> memref<1x128xi32, #tpu.memory_space<vmem>>
          %dma_wait3A_66 = tpu.memref_squeeze %dma_wait3A_65 : memref<1x128xi32, #tpu.memory_space<vmem>> -> memref<128xi32, #tpu.memory_space<vmem>>
          %dma_wait3A_67 = arith.constant 0 : i32
          %dma_wait3A_68 = arith.constant 0 : i32
          %dma_wait3A_69 = tpu.memref_slice %arg10[%dma_wait3A_67, %dma_wait3A_68] : memref<10112x128xf32, #tpu.memory_space<vmem_shared>> -> memref<10112x128xf32, #tpu.memory_space<vmem_shared>>
          tpu.wait_indirect_dma semaphore(%run_scoped3A : memref<!tpu.dma_semaphore, #tpu.memory_space<semaphore_mem>>) src(%arg9 : memref<128x128xf32, #tpu.memory_space<vmem>>) dst(%dma_wait3A_69 : memref<10112x128xf32, #tpu.memory_space<vmem_shared>>)
          tpu.yield
        }) : () -> ()
        %scan3A_57 = arith.constant 0 : i32
        scf.yield %scan3A_57 : i32
      }
      %scan3A_30 = arith.constant 20 : i32
      %scan3A_31 = arith.constant 0 : i32
      scf.yield %scan3A_31 : i32
    }
    %scan3A_10 = arith.constant 4 : i32
    %barrier3A_11 = arith.constant 0 : index
    tpu.barrier barrier_id(%barrier3A_11)
    %mul3A_12 = arith.constant 632 : i32
    %mul3A_13 = arith.muli %arg1, %mul3A_12 : i32
    %mul3A_14 = arith.constant 632 : i32
    %mul3A_15 = arith.muli %arg1, %mul3A_14 : i32
    "tpu.region"() ({
      %run_scoped3A = tpu.sem_alloc : memref<!tpu.dma_semaphore, #tpu.memory_space<semaphore_mem>>
      %dma_start3A = arith.constant 0 : i32
      %dma_start3A_16 = tpu.memref_slice %arg5[%arg0, %mul3A_15, %dma_start3A] : memref<2x10112x128xf32, #tpu.memory_space<hbm>> -> memref<1x632x128xf32, #tpu.memory_space<hbm>>
      %dma_start3A_17 = tpu.memref_squeeze %dma_start3A_16 : memref<1x632x128xf32, #tpu.memory_space<hbm>> -> memref<632x128xf32, #tpu.memory_space<hbm>>
      %dma_start3A_18 = arith.constant 0 : i32
      %dma_start3A_19 = tpu.memref_slice %arg10[%mul3A_13, %dma_start3A_18] : memref<10112x128xf32, #tpu.memory_space<vmem_shared>> -> memref<632x128xf32, #tpu.memory_space<vmem_shared>>
      tpu.enqueue_dma source(%dma_start3A_19 : memref<632x128xf32, #tpu.memory_space<vmem_shared>>) target(%dma_start3A_17 : memref<632x128xf32, #tpu.memory_space<hbm>>) target_semaphore(%run_scoped3A : memref<!tpu.dma_semaphore, #tpu.memory_space<semaphore_mem>>)
      %dma_wait3A = arith.constant 0 : i32
      %dma_wait3A_20 = tpu.memref_slice %arg5[%arg0, %mul3A_15, %dma_wait3A] : memref<2x10112x128xf32, #tpu.memory_space<hbm>> -> memref<1x632x128xf32, #tpu.memory_space<hbm>>
      %dma_wait3A_21 = tpu.memref_squeeze %dma_wait3A_20 : memref<1x632x128xf32, #tpu.memory_space<hbm>> -> memref<632x128xf32, #tpu.memory_space<hbm>>
      %dma_wait3A_22 = arith.constant 0 : i32
      %dma_wait3A_23 = tpu.memref_slice %arg10[%mul3A_13, %dma_wait3A_22] : memref<10112x128xf32, #tpu.memory_space<vmem_shared>> -> memref<632x128xf32, #tpu.memory_space<vmem_shared>>
      tpu.wait_dma2 semaphore(%run_scoped3A : memref<!tpu.dma_semaphore, #tpu.memory_space<semaphore_mem>>) src(%dma_wait3A_23 : memref<632x128xf32, #tpu.memory_space<vmem_shared>>) dst(%dma_wait3A_21 : memref<632x128xf32, #tpu.memory_space<hbm>>)
      tpu.yield
    }) : () -> ()
    return
  }
}

#map = affine_map<(d0, d1) -> (0, 0)>
#map1 = affine_map<(d0, d1) -> (0, 0, 0, 0, 0)>
#map2 = affine_map<(d0, d1) -> (0, 0, 0, 0)>
#map3 = affine_map<(d0, d1) -> (0, 0, 0)>
module attributes {stable_mosaic.version = 14 : i64} {
  func.func @agg_kernel(%arg0: i32, %arg1: i32, %arg2: memref<20224x128xf32, #tpu.memory_space<hbm>>, %arg3: memref<2x16x4x40x128xi32, #tpu.memory_space<hbm>>, %arg4: memref<16x4x40x128xi32, #tpu.memory_space<hbm>>, %arg5: memref<2x10112x128xf32, #tpu.memory_space<hbm>>, %arg6: memref<40x128xi32, #tpu.memory_space<vmem>>, %arg7: memref<40x128xi32, #tpu.memory_space<vmem>>, %arg8: memref<128x128xf32, #tpu.memory_space<vmem>>, %arg9: memref<128x128xf32, #tpu.memory_space<vmem>>, %arg10: memref<10112x128xf32, #tpu.memory_space<vmem_shared>>, %arg11: memref<!tpu.dma_semaphore, #tpu.memory_space<semaphore_mem>>, %arg12: memref<!tpu.dma_semaphore, #tpu.memory_space<semaphore_mem>>) attributes {dimension_semantics = [#tpu.dimension_semantics<core_parallel>, #tpu.dimension_semantics<subcore_parallel>], iteration_bounds = array<i64: 2, 16>, scalar_prefetch = 0 : i64, scratch_operands = 7 : i64, tpu.core_type = #tpu.core_type<sc_vector_subcore>, window_params = [{transform_indices = #map}, {transform_indices = #map1}, {transform_indices = #map2}, {transform_indices = #map3}]} {
    %mul3A = arith.constant 10112 : i32
    %mul3A_0 = arith.muli %arg0, %mul3A : i32
    %mul3A_1 = arith.constant 632 : i32
    %mul3A_2 = arith.muli %arg1, %mul3A_1 : i32
    %add3A = arith.addi %mul3A_0, %mul3A_2 : i32
    %mul3A_3 = arith.constant 632 : i32
    %mul3A_4 = arith.muli %arg1, %mul3A_3 : i32
    "tpu.region"() ({
      %run_scoped3A = tpu.sem_alloc : memref<!tpu.dma_semaphore, #tpu.memory_space<semaphore_mem>>
      %dma_start3A = arith.constant 0 : i32
      %dma_start3A_16 = tpu.memref_slice %arg10[%mul3A_4, %dma_start3A] : memref<10112x128xf32, #tpu.memory_space<vmem_shared>> -> memref<632x128xf32, #tpu.memory_space<vmem_shared>>
      %dma_start3A_17 = arith.constant 0 : i32
      %dma_start3A_18 = tpu.memref_slice %arg2[%add3A, %dma_start3A_17] : memref<20224x128xf32, #tpu.memory_space<hbm>> -> memref<632x128xf32, #tpu.memory_space<hbm>>
      tpu.enqueue_dma source(%dma_start3A_18 : memref<632x128xf32, #tpu.memory_space<hbm>>) target(%dma_start3A_16 : memref<632x128xf32, #tpu.memory_space<vmem_shared>>) target_semaphore(%run_scoped3A : memref<!tpu.dma_semaphore, #tpu.memory_space<semaphore_mem>>)
      %dma_wait3A = arith.constant 0 : i32
      %dma_wait3A_19 = tpu.memref_slice %arg10[%mul3A_4, %dma_wait3A] : memref<10112x128xf32, #tpu.memory_space<vmem_shared>> -> memref<632x128xf32, #tpu.memory_space<vmem_shared>>
      %dma_wait3A_20 = arith.constant 0 : i32
      %dma_wait3A_21 = tpu.memref_slice %arg2[%add3A, %dma_wait3A_20] : memref<20224x128xf32, #tpu.memory_space<hbm>> -> memref<632x128xf32, #tpu.memory_space<hbm>>
      tpu.wait_dma2 semaphore(%run_scoped3A : memref<!tpu.dma_semaphore, #tpu.memory_space<semaphore_mem>>) src(%dma_wait3A_21 : memref<632x128xf32, #tpu.memory_space<hbm>>) dst(%dma_wait3A_19 : memref<632x128xf32, #tpu.memory_space<vmem_shared>>)
      tpu.yield
    }) : () -> ()
    %barrier3A = arith.constant 0 : index
    tpu.barrier barrier_id(%barrier3A)
    %scan3A = arith.constant 0 : i32
    %scan3A_5 = arith.constant 0 : i32
    %scan3A_6 = arith.constant 4 : i32
    %scan3A_7 = arith.addi %scan3A_5, %scan3A_6 : i32
    %scan3A_8 = arith.constant 1 : i32
    %scan3A_9 = scf.for %scan3A_16 = %scan3A_5 to %scan3A_7 step %scan3A_8 iter_args(%scan3A_17 = %scan3A) -> (i32)  : i32 {
      "tpu.region"() ({
        %run_scoped3A = tpu.sem_alloc : memref<!tpu.dma_semaphore, #tpu.memory_space<semaphore_mem>>
        %dma_start3A_32 = arith.constant 0 : i32
        %dma_start3A_33 = arith.constant 0 : i32
        %dma_start3A_34 = tpu.memref_slice %arg3[%arg0, %arg1, %scan3A_16, %dma_start3A_32, %dma_start3A_33] : memref<2x16x4x40x128xi32, #tpu.memory_space<hbm>> -> memref<1x1x1x40x128xi32, #tpu.memory_space<hbm>>
        %dma_start3A_35 = tpu.memref_squeeze %dma_start3A_34 : memref<1x1x1x40x128xi32, #tpu.memory_space<hbm>> -> memref<40x128xi32, #tpu.memory_space<hbm>>
        %dma_start3A_36 = arith.constant 0 : i32
        %dma_start3A_37 = arith.constant 0 : i32
        %dma_start3A_38 = tpu.memref_slice %arg3[%arg0, %arg1, %scan3A_16, %dma_start3A_36, %dma_start3A_37] : memref<2x16x4x40x128xi32, #tpu.memory_space<hbm>> -> memref<1x1x1x40x128xi32, #tpu.memory_space<hbm>>
        %dma_start3A_39 = tpu.memref_squeeze %dma_start3A_38 : memref<1x1x1x40x128xi32, #tpu.memory_space<hbm>> -> memref<40x128xi32, #tpu.memory_space<hbm>>
        tpu.enqueue_dma source(%dma_start3A_39 : memref<40x128xi32, #tpu.memory_space<hbm>>) target(%arg6 : memref<40x128xi32, #tpu.memory_space<vmem>>) target_semaphore(%run_scoped3A : memref<!tpu.dma_semaphore, #tpu.memory_space<semaphore_mem>>)
        %dma_wait3A = arith.constant 0 : i32
        %dma_wait3A_40 = arith.constant 0 : i32
        %dma_wait3A_41 = tpu.memref_slice %arg3[%arg0, %arg1, %scan3A_16, %dma_wait3A, %dma_wait3A_40] : memref<2x16x4x40x128xi32, #tpu.memory_space<hbm>> -> memref<1x1x1x40x128xi32, #tpu.memory_space<hbm>>
        %dma_wait3A_42 = tpu.memref_squeeze %dma_wait3A_41 : memref<1x1x1x40x128xi32, #tpu.memory_space<hbm>> -> memref<40x128xi32, #tpu.memory_space<hbm>>
        %dma_wait3A_43 = arith.constant 0 : i32
        %dma_wait3A_44 = arith.constant 0 : i32
        %dma_wait3A_45 = tpu.memref_slice %arg3[%arg0, %arg1, %scan3A_16, %dma_wait3A_43, %dma_wait3A_44] : memref<2x16x4x40x128xi32, #tpu.memory_space<hbm>> -> memref<1x1x1x40x128xi32, #tpu.memory_space<hbm>>
        %dma_wait3A_46 = tpu.memref_squeeze %dma_wait3A_45 : memref<1x1x1x40x128xi32, #tpu.memory_space<hbm>> -> memref<40x128xi32, #tpu.memory_space<hbm>>
        tpu.wait_dma2 semaphore(%run_scoped3A : memref<!tpu.dma_semaphore, #tpu.memory_space<semaphore_mem>>) src(%dma_wait3A_46 : memref<40x128xi32, #tpu.memory_space<hbm>>) dst(%arg6 : memref<40x128xi32, #tpu.memory_space<vmem>>)
        tpu.yield
      }) : () -> ()
      "tpu.region"() ({
        %run_scoped3A = tpu.sem_alloc : memref<!tpu.dma_semaphore, #tpu.memory_space<semaphore_mem>>
        %dma_start3A_32 = arith.constant 0 : i32
        %dma_start3A_33 = arith.constant 0 : i32
        %dma_start3A_34 = tpu.memref_slice %arg4[%arg1, %scan3A_16, %dma_start3A_32, %dma_start3A_33] : memref<16x4x40x128xi32, #tpu.memory_space<hbm>> -> memref<1x1x40x128xi32, #tpu.memory_space<hbm>>
        %dma_start3A_35 = tpu.memref_squeeze %dma_start3A_34 : memref<1x1x40x128xi32, #tpu.memory_space<hbm>> -> memref<40x128xi32, #tpu.memory_space<hbm>>
        %dma_start3A_36 = arith.constant 0 : i32
        %dma_start3A_37 = arith.constant 0 : i32
        %dma_start3A_38 = tpu.memref_slice %arg4[%arg1, %scan3A_16, %dma_start3A_36, %dma_start3A_37] : memref<16x4x40x128xi32, #tpu.memory_space<hbm>> -> memref<1x1x40x128xi32, #tpu.memory_space<hbm>>
        %dma_start3A_39 = tpu.memref_squeeze %dma_start3A_38 : memref<1x1x40x128xi32, #tpu.memory_space<hbm>> -> memref<40x128xi32, #tpu.memory_space<hbm>>
        tpu.enqueue_dma source(%dma_start3A_39 : memref<40x128xi32, #tpu.memory_space<hbm>>) target(%arg7 : memref<40x128xi32, #tpu.memory_space<vmem>>) target_semaphore(%run_scoped3A : memref<!tpu.dma_semaphore, #tpu.memory_space<semaphore_mem>>)
        %dma_wait3A = arith.constant 0 : i32
        %dma_wait3A_40 = arith.constant 0 : i32
        %dma_wait3A_41 = tpu.memref_slice %arg4[%arg1, %scan3A_16, %dma_wait3A, %dma_wait3A_40] : memref<16x4x40x128xi32, #tpu.memory_space<hbm>> -> memref<1x1x40x128xi32, #tpu.memory_space<hbm>>
        %dma_wait3A_42 = tpu.memref_squeeze %dma_wait3A_41 : memref<1x1x40x128xi32, #tpu.memory_space<hbm>> -> memref<40x128xi32, #tpu.memory_space<hbm>>
        %dma_wait3A_43 = arith.constant 0 : i32
        %dma_wait3A_44 = arith.constant 0 : i32
        %dma_wait3A_45 = tpu.memref_slice %arg4[%arg1, %scan3A_16, %dma_wait3A_43, %dma_wait3A_44] : memref<16x4x40x128xi32, #tpu.memory_space<hbm>> -> memref<1x1x40x128xi32, #tpu.memory_space<hbm>>
        %dma_wait3A_46 = tpu.memref_squeeze %dma_wait3A_45 : memref<1x1x40x128xi32, #tpu.memory_space<hbm>> -> memref<40x128xi32, #tpu.memory_space<hbm>>
        tpu.wait_dma2 semaphore(%run_scoped3A : memref<!tpu.dma_semaphore, #tpu.memory_space<semaphore_mem>>) src(%dma_wait3A_46 : memref<40x128xi32, #tpu.memory_space<hbm>>) dst(%arg7 : memref<40x128xi32, #tpu.memory_space<vmem>>)
        tpu.yield
      }) : () -> ()
      %dma_start3A = arith.constant 0 : i32
      %dma_start3A_18 = arith.constant 0 : i32
      %dma_start3A_19 = tpu.memref_slice %arg6[%dma_start3A, %dma_start3A_18] : memref<40x128xi32, #tpu.memory_space<vmem>> -> memref<1x128xi32, #tpu.memory_space<vmem>>
      %dma_start3A_20 = tpu.memref_squeeze %dma_start3A_19 : memref<1x128xi32, #tpu.memory_space<vmem>> -> memref<128xi32, #tpu.memory_space<vmem>>
      %dma_start3A_21 = arith.constant 0 : i32
      %dma_start3A_22 = arith.constant 0 : i32
      %dma_start3A_23 = tpu.memref_slice %arg2[%dma_start3A_21, %dma_start3A_22] : memref<20224x128xf32, #tpu.memory_space<hbm>> -> memref<20224x128xf32, #tpu.memory_space<hbm>>
      tpu.enqueue_indirect_dma source(%dma_start3A_23 : memref<20224x128xf32, #tpu.memory_space<hbm>>) target(%arg8 : memref<128x128xf32, #tpu.memory_space<vmem>>) offsets(%dma_start3A_20 : memref<128xi32, #tpu.memory_space<vmem>>) semaphore(%arg11 : memref<!tpu.dma_semaphore, #tpu.memory_space<semaphore_mem>>)
      %scan3A_24 = arith.constant 0 : i32
      %scan3A_25 = arith.constant 0 : i32
      %scan3A_26 = arith.constant 20 : i32
      %scan3A_27 = arith.addi %scan3A_25, %scan3A_26 : i32
      %scan3A_28 = arith.constant 1 : i32
      %scan3A_29 = scf.for %scan3A_32 = %scan3A_25 to %scan3A_27 step %scan3A_28 iter_args(%scan3A_33 = %scan3A_24) -> (i32)  : i32 {
        %mul3A_34 = arith.constant 2 : i32
        %mul3A_35 = arith.muli %mul3A_34, %scan3A_32 : i32
        %add3A_36 = arith.constant 1 : i32
        %add3A_37 = arith.addi %mul3A_35, %add3A_36 : i32
        %dma_start3A_38 = arith.constant 0 : i32
        %dma_start3A_39 = tpu.memref_slice %arg6[%add3A_37, %dma_start3A_38] : memref<40x128xi32, #tpu.memory_space<vmem>> -> memref<1x128xi32, #tpu.memory_space<vmem>>
        %dma_start3A_40 = tpu.memref_squeeze %dma_start3A_39 : memref<1x128xi32, #tpu.memory_space<vmem>> -> memref<128xi32, #tpu.memory_space<vmem>>
        %dma_start3A_41 = arith.constant 0 : i32
        %dma_start3A_42 = arith.constant 0 : i32
        %dma_start3A_43 = tpu.memref_slice %arg2[%dma_start3A_41, %dma_start3A_42] : memref<20224x128xf32, #tpu.memory_space<hbm>> -> memref<20224x128xf32, #tpu.memory_space<hbm>>
        tpu.enqueue_indirect_dma source(%dma_start3A_43 : memref<20224x128xf32, #tpu.memory_space<hbm>>) target(%arg9 : memref<128x128xf32, #tpu.memory_space<vmem>>) offsets(%dma_start3A_40 : memref<128xi32, #tpu.memory_space<vmem>>) semaphore(%arg12 : memref<!tpu.dma_semaphore, #tpu.memory_space<semaphore_mem>>)
        %dma_wait3A = arith.constant 0 : i32
        %dma_wait3A_44 = tpu.memref_slice %arg6[%mul3A_35, %dma_wait3A] : memref<40x128xi32, #tpu.memory_space<vmem>> -> memref<1x128xi32, #tpu.memory_space<vmem>>
        %dma_wait3A_45 = tpu.memref_squeeze %dma_wait3A_44 : memref<1x128xi32, #tpu.memory_space<vmem>> -> memref<128xi32, #tpu.memory_space<vmem>>
        %dma_wait3A_46 = arith.constant 0 : i32
        %dma_wait3A_47 = arith.constant 0 : i32
        %dma_wait3A_48 = tpu.memref_slice %arg2[%dma_wait3A_46, %dma_wait3A_47] : memref<20224x128xf32, #tpu.memory_space<hbm>> -> memref<20224x128xf32, #tpu.memory_space<hbm>>
        tpu.wait_indirect_dma semaphore(%arg11 : memref<!tpu.dma_semaphore, #tpu.memory_space<semaphore_mem>>) src(%dma_wait3A_48 : memref<20224x128xf32, #tpu.memory_space<hbm>>) dst(%arg8 : memref<128x128xf32, #tpu.memory_space<vmem>>)
        "tpu.region"() ({
          %run_scoped3A = tpu.sem_alloc : memref<!tpu.dma_semaphore, #tpu.memory_space<semaphore_mem>>
          %dma_start3A_58 = arith.constant 0 : i32
          %dma_start3A_59 = tpu.memref_slice %arg7[%mul3A_35, %dma_start3A_58] : memref<40x128xi32, #tpu.memory_space<vmem>> -> memref<1x128xi32, #tpu.memory_space<vmem>>
          %dma_start3A_60 = tpu.memref_squeeze %dma_start3A_59 : memref<1x128xi32, #tpu.memory_space<vmem>> -> memref<128xi32, #tpu.memory_space<vmem>>
          %dma_start3A_61 = arith.constant 0 : i32
          %dma_start3A_62 = arith.constant 0 : i32
          %dma_start3A_63 = tpu.memref_slice %arg10[%dma_start3A_61, %dma_start3A_62] : memref<10112x128xf32, #tpu.memory_space<vmem_shared>> -> memref<10112x128xf32, #tpu.memory_space<vmem_shared>>
          tpu.enqueue_indirect_dma source(%arg8 : memref<128x128xf32, #tpu.memory_space<vmem>>) target(%dma_start3A_63 : memref<10112x128xf32, #tpu.memory_space<vmem_shared>>) offsets(%dma_start3A_60 : memref<128xi32, #tpu.memory_space<vmem>>) semaphore(%run_scoped3A : memref<!tpu.dma_semaphore, #tpu.memory_space<semaphore_mem>>) {add = true}
          %dma_wait3A_64 = arith.constant 0 : i32
          %dma_wait3A_65 = tpu.memref_slice %arg7[%mul3A_35, %dma_wait3A_64] : memref<40x128xi32, #tpu.memory_space<vmem>> -> memref<1x128xi32, #tpu.memory_space<vmem>>
          %dma_wait3A_66 = tpu.memref_squeeze %dma_wait3A_65 : memref<1x128xi32, #tpu.memory_space<vmem>> -> memref<128xi32, #tpu.memory_space<vmem>>
          %dma_wait3A_67 = arith.constant 0 : i32
          %dma_wait3A_68 = arith.constant 0 : i32
          %dma_wait3A_69 = tpu.memref_slice %arg10[%dma_wait3A_67, %dma_wait3A_68] : memref<10112x128xf32, #tpu.memory_space<vmem_shared>> -> memref<10112x128xf32, #tpu.memory_space<vmem_shared>>
          tpu.wait_indirect_dma semaphore(%run_scoped3A : memref<!tpu.dma_semaphore, #tpu.memory_space<semaphore_mem>>) src(%arg8 : memref<128x128xf32, #tpu.memory_space<vmem>>) dst(%dma_wait3A_69 : memref<10112x128xf32, #tpu.memory_space<vmem_shared>>)
          tpu.yield
        }) : () -> ()
        %lt3A = arith.constant 19 : i32
        %lt3A_49 = arith.cmpi slt, %scan3A_32, %lt3A : i32
        %convert_element_type3A = arith.extui %lt3A_49 : i1 to i32
        %cond3A = arith.constant 0 : i32
        %cond3A_50 = arith.cmpi ne, %convert_element_type3A, %cond3A : i32
        scf.if %cond3A_50 {
          %add3A_58 = arith.constant 2 : i32
          %add3A_59 = arith.addi %mul3A_35, %add3A_58 : i32
          %dma_start3A_60 = arith.constant 0 : i32
          %dma_start3A_61 = tpu.memref_slice %arg6[%add3A_59, %dma_start3A_60] : memref<40x128xi32, #tpu.memory_space<vmem>> -> memref<1x128xi32, #tpu.memory_space<vmem>>
          %dma_start3A_62 = tpu.memref_squeeze %dma_start3A_61 : memref<1x128xi32, #tpu.memory_space<vmem>> -> memref<128xi32, #tpu.memory_space<vmem>>
          %dma_start3A_63 = arith.constant 0 : i32
          %dma_start3A_64 = arith.constant 0 : i32
          %dma_start3A_65 = tpu.memref_slice %arg2[%dma_start3A_63, %dma_start3A_64] : memref<20224x128xf32, #tpu.memory_space<hbm>> -> memref<20224x128xf32, #tpu.memory_space<hbm>>
          tpu.enqueue_indirect_dma source(%dma_start3A_65 : memref<20224x128xf32, #tpu.memory_space<hbm>>) target(%arg8 : memref<128x128xf32, #tpu.memory_space<vmem>>) offsets(%dma_start3A_62 : memref<128xi32, #tpu.memory_space<vmem>>) semaphore(%arg11 : memref<!tpu.dma_semaphore, #tpu.memory_space<semaphore_mem>>)
        } else {
        }
        %dma_wait3A_51 = arith.constant 0 : i32
        %dma_wait3A_52 = tpu.memref_slice %arg6[%add3A_37, %dma_wait3A_51] : memref<40x128xi32, #tpu.memory_space<vmem>> -> memref<1x128xi32, #tpu.memory_space<vmem>>
        %dma_wait3A_53 = tpu.memref_squeeze %dma_wait3A_52 : memref<1x128xi32, #tpu.memory_space<vmem>> -> memref<128xi32, #tpu.memory_space<vmem>>
        %dma_wait3A_54 = arith.constant 0 : i32
        %dma_wait3A_55 = arith.constant 0 : i32
        %dma_wait3A_56 = tpu.memref_slice %arg2[%dma_wait3A_54, %dma_wait3A_55] : memref<20224x128xf32, #tpu.memory_space<hbm>> -> memref<20224x128xf32, #tpu.memory_space<hbm>>
        tpu.wait_indirect_dma semaphore(%arg12 : memref<!tpu.dma_semaphore, #tpu.memory_space<semaphore_mem>>) src(%dma_wait3A_56 : memref<20224x128xf32, #tpu.memory_space<hbm>>) dst(%arg9 : memref<128x128xf32, #tpu.memory_space<vmem>>)
        "tpu.region"() ({
          %run_scoped3A = tpu.sem_alloc : memref<!tpu.dma_semaphore, #tpu.memory_space<semaphore_mem>>
          %dma_start3A_58 = arith.constant 0 : i32
          %dma_start3A_59 = tpu.memref_slice %arg7[%add3A_37, %dma_start3A_58] : memref<40x128xi32, #tpu.memory_space<vmem>> -> memref<1x128xi32, #tpu.memory_space<vmem>>
          %dma_start3A_60 = tpu.memref_squeeze %dma_start3A_59 : memref<1x128xi32, #tpu.memory_space<vmem>> -> memref<128xi32, #tpu.memory_space<vmem>>
          %dma_start3A_61 = arith.constant 0 : i32
          %dma_start3A_62 = arith.constant 0 : i32
          %dma_start3A_63 = tpu.memref_slice %arg10[%dma_start3A_61, %dma_start3A_62] : memref<10112x128xf32, #tpu.memory_space<vmem_shared>> -> memref<10112x128xf32, #tpu.memory_space<vmem_shared>>
          tpu.enqueue_indirect_dma source(%arg9 : memref<128x128xf32, #tpu.memory_space<vmem>>) target(%dma_start3A_63 : memref<10112x128xf32, #tpu.memory_space<vmem_shared>>) offsets(%dma_start3A_60 : memref<128xi32, #tpu.memory_space<vmem>>) semaphore(%run_scoped3A : memref<!tpu.dma_semaphore, #tpu.memory_space<semaphore_mem>>) {add = true}
          %dma_wait3A_64 = arith.constant 0 : i32
          %dma_wait3A_65 = tpu.memref_slice %arg7[%add3A_37, %dma_wait3A_64] : memref<40x128xi32, #tpu.memory_space<vmem>> -> memref<1x128xi32, #tpu.memory_space<vmem>>
          %dma_wait3A_66 = tpu.memref_squeeze %dma_wait3A_65 : memref<1x128xi32, #tpu.memory_space<vmem>> -> memref<128xi32, #tpu.memory_space<vmem>>
          %dma_wait3A_67 = arith.constant 0 : i32
          %dma_wait3A_68 = arith.constant 0 : i32
          %dma_wait3A_69 = tpu.memref_slice %arg10[%dma_wait3A_67, %dma_wait3A_68] : memref<10112x128xf32, #tpu.memory_space<vmem_shared>> -> memref<10112x128xf32, #tpu.memory_space<vmem_shared>>
          tpu.wait_indirect_dma semaphore(%run_scoped3A : memref<!tpu.dma_semaphore, #tpu.memory_space<semaphore_mem>>) src(%arg9 : memref<128x128xf32, #tpu.memory_space<vmem>>) dst(%dma_wait3A_69 : memref<10112x128xf32, #tpu.memory_space<vmem_shared>>)
          tpu.yield
        }) : () -> ()
        %scan3A_57 = arith.constant 0 : i32
        scf.yield %scan3A_57 : i32
      }
      %scan3A_30 = arith.constant 20 : i32
      %scan3A_31 = arith.constant 0 : i32
      scf.yield %scan3A_31 : i32
    }
    %scan3A_10 = arith.constant 4 : i32
    %barrier3A_11 = arith.constant 0 : index
    tpu.barrier barrier_id(%barrier3A_11)
    %mul3A_12 = arith.constant 632 : i32
    %mul3A_13 = arith.muli %arg1, %mul3A_12 : i32
    %mul3A_14 = arith.constant 632 : i32
    %mul3A_15 = arith.muli %arg1, %mul3A_14 : i32
    "tpu.region"() ({
      %run_scoped3A = tpu.sem_alloc : memref<!tpu.dma_semaphore, #tpu.memory_space<semaphore_mem>>
      %dma_start3A = arith.constant 0 : i32
      %dma_start3A_16 = tpu.memref_slice %arg5[%arg0, %mul3A_15, %dma_start3A] : memref<2x10112x128xf32, #tpu.memory_space<hbm>> -> memref<1x632x128xf32, #tpu.memory_space<hbm>>
      %dma_start3A_17 = tpu.memref_squeeze %dma_start3A_16 : memref<1x632x128xf32, #tpu.memory_space<hbm>> -> memref<632x128xf32, #tpu.memory_space<hbm>>
      %dma_start3A_18 = arith.constant 0 : i32
      %dma_start3A_19 = tpu.memref_slice %arg10[%mul3A_13, %dma_start3A_18] : memref<10112x128xf32, #tpu.memory_space<vmem_shared>> -> memref<632x128xf32, #tpu.memory_space<vmem_shared>>
      tpu.enqueue_dma source(%dma_start3A_19 : memref<632x128xf32, #tpu.memory_space<vmem_shared>>) target(%dma_start3A_17 : memref<632x128xf32, #tpu.memory_space<hbm>>) target_semaphore(%run_scoped3A : memref<!tpu.dma_semaphore, #tpu.memory_space<semaphore_mem>>)
      %dma_wait3A = arith.constant 0 : i32
      %dma_wait3A_20 = tpu.memref_slice %arg5[%arg0, %mul3A_15, %dma_wait3A] : memref<2x10112x128xf32, #tpu.memory_space<hbm>> -> memref<1x632x128xf32, #tpu.memory_space<hbm>>
      %dma_wait3A_21 = tpu.memref_squeeze %dma_wait3A_20 : memref<1x632x128xf32, #tpu.memory_space<hbm>> -> memref<632x128xf32, #tpu.memory_space<hbm>>
      %dma_wait3A_22 = arith.constant 0 : i32
      %dma_wait3A_23 = tpu.memref_slice %arg10[%mul3A_13, %dma_wait3A_22] : memref<10112x128xf32, #tpu.memory_space<vmem_shared>> -> memref<632x128xf32, #tpu.memory_space<vmem_shared>>
      tpu.wait_dma2 semaphore(%run_scoped3A : memref<!tpu.dma_semaphore, #tpu.memory_space<semaphore_mem>>) src(%dma_wait3A_23 : memref<632x128xf32, #tpu.memory_space<vmem_shared>>) dst(%dma_wait3A_21 : memref<632x128xf32, #tpu.memory_space<hbm>>)
      tpu.yield
    }) : () -> ()
    return
  }
}

module attributes {stable_mosaic.version = 14 : i64} {
  func.func @_mm_scale_body(%arg0: i32, %arg1: memref<2528x128xf32, #tpu.memory_space<vmem>>, %arg2: memref<128x256xf32, #tpu.memory_space<vmem>>, %arg3: memref<2x2528x128xf32, #tpu.memory_space<vmem>>, %arg4: memref<2x2528x128xf32, #tpu.memory_space<vmem>>) attributes {dimension_semantics = [#tpu.dimension_semantics<arbitrary>], iteration_bounds = array<i64: 4>, scalar_prefetch = 0 : i64, scratch_operands = 0 : i64, tpu.core_type = #tpu.core_type<tc>, window_params = [{transform_indices = @transform_0, window_bounds = array<i64: 2528, 128>}, {pipeline_mode = #tpu.pipeline_mode<synchronous>, transform_indices = @transform_1, window_bounds = array<i64: 128, 256>}, {transform_indices = @transform_2, window_bounds = array<i64: 2, 2528, 128>}, {transform_indices = @transform_3, window_bounds = array<i64: 2, 2528, 128>}]} {
    %get3A = arith.constant 0 : index
    %get3A_0 = arith.constant 0 : index
    %get3A_1 = arith.constant 0 : index
    %get3A_2 = vector.load %arg3[%get3A, %get3A_0, %get3A_1] : memref<2x2528x128xf32, #tpu.memory_space<vmem>>, vector<1x2528x1xf32>
    %get3A_3 = vector.shape_cast %get3A_2 : vector<1x2528x1xf32> to vector<2528xf32>
    %get3A_4 = arith.constant 1 : index
    %get3A_5 = arith.constant 0 : index
    %get3A_6 = arith.constant 0 : index
    %get3A_7 = vector.load %arg3[%get3A_4, %get3A_5, %get3A_6] : memref<2x2528x128xf32, #tpu.memory_space<vmem>>, vector<1x2528x1xf32>
    %get3A_8 = vector.shape_cast %get3A_7 : vector<1x2528x1xf32> to vector<2528xf32>
    %add3A = arith.addf %get3A_3, %get3A_8 : vector<2528xf32>
    %add3A_9 = arith.constant 1.000000e+00 : f32
    %add3A_10 = vector.broadcast %add3A_9 : f32 to vector<2528xf32>
    %add3A_11 = arith.addf %add3A, %add3A_10 : vector<2528xf32>
    %rsqrt3A = math.rsqrt %add3A_11 : vector<2528xf32>
    %get3A_12 = arith.constant 0 : index
    %get3A_13 = arith.constant 0 : index
    %get3A_14 = vector.load %arg1[%get3A_12, %get3A_13] : memref<2528x128xf32, #tpu.memory_space<vmem>>, vector<2528x128xf32>
    %get3A_15 = arith.constant 0 : index
    %get3A_16 = arith.constant 0 : index
    %get3A_17 = vector.load %arg2[%get3A_15, %get3A_16] : memref<128x256xf32, #tpu.memory_space<vmem>>, vector<128x256xf32>
    %dot_general3A = arith.constant dense<0.000000e+00> : vector<2528x256xf32>
    %dot_general3A_18 = tpu.matmul %get3A_14, %get3A_17, %dot_general3A {dimension_numbers = #tpu.dot_dimension_numbers<[1], [0], [0], [1], [0, 0, 1, 1], [], []>, transpose_lhs_hint = false} : vector<2528x128xf32>, vector<128x256xf32>, vector<2528x256xf32> -> vector<2528x256xf32>
    %broadcast_in_dim3A = vector.shape_cast %rsqrt3A : vector<2528xf32> to vector<2528x1xf32>
    %mul3A = vector.broadcast %broadcast_in_dim3A : vector<2528x1xf32> to vector<2528x256xf32>
    %mul3A_19 = arith.mulf %dot_general3A_18, %mul3A : vector<2528x256xf32>
    %slice3A = vector.extract_strided_slice %mul3A_19 {offsets = [0, 0], sizes = [2528, 128], strides = [1, 1]} : vector<2528x256xf32> to vector<2528x128xf32>
    %swap3A = arith.constant 0 : index
    %swap3A_20 = arith.constant 0 : index
    %swap3A_21 = arith.constant 0 : index
    %swap3A_22 = vector.load %arg4[%swap3A, %swap3A_20, %swap3A_21] : memref<2x2528x128xf32, #tpu.memory_space<vmem>>, vector<1x2528x128xf32>
    %swap3A_23 = vector.shape_cast %swap3A_22 : vector<1x2528x128xf32> to vector<2528x128xf32>
    %swap3A_24 = vector.shape_cast %slice3A : vector<2528x128xf32> to vector<1x2528x128xf32>
    tpu.vector_store %arg4[%swap3A, %swap3A_20, %swap3A_21], %swap3A_24 {strides = array<i32>} : memref<2x2528x128xf32, #tpu.memory_space<vmem>>, vector<1x2528x128xf32>,
    %slice3A_25 = vector.extract_strided_slice %mul3A_19 {offsets = [0, 128], sizes = [2528, 128], strides = [1, 1]} : vector<2528x256xf32> to vector<2528x128xf32>
    %swap3A_26 = arith.constant 1 : index
    %swap3A_27 = arith.constant 0 : index
    %swap3A_28 = arith.constant 0 : index
    %swap3A_29 = vector.load %arg4[%swap3A_26, %swap3A_27, %swap3A_28] : memref<2x2528x128xf32, #tpu.memory_space<vmem>>, vector<1x2528x128xf32>
    %swap3A_30 = vector.shape_cast %swap3A_29 : vector<1x2528x128xf32> to vector<2528x128xf32>
    %swap3A_31 = vector.shape_cast %slice3A_25 : vector<2528x128xf32> to vector<1x2528x128xf32>
    tpu.vector_store %arg4[%swap3A_26, %swap3A_27, %swap3A_28], %swap3A_31 {strides = array<i32>} : memref<2x2528x128xf32, #tpu.memory_space<vmem>>, vector<1x2528x128xf32>,
    return
  }
  func.func @transform_0(%arg0: i32) -> (i32, i32) {
    %c0_i32 = arith.constant 0 : i32
    %c0_i32_0 = arith.constant 0 : i32
    return %arg0, %c0_i32 : i32, i32
  }
  func.func @transform_1(%arg0: i32) -> (i32, i32) {
    %c0_i32 = arith.constant 0 : i32
    %c0_i32_0 = arith.constant 0 : i32
    %c0_i32_1 = arith.constant 0 : i32
    return %c0_i32, %c0_i32_0 : i32, i32
  }
  func.func @transform_2(%arg0: i32) -> (i32, i32, i32) {
    %c0_i32 = arith.constant 0 : i32
    %c0_i32_0 = arith.constant 0 : i32
    %c0_i32_1 = arith.constant 0 : i32
    return %c0_i32, %arg0, %c0_i32_0 : i32, i32, i32
  }
  func.func @transform_3(%arg0: i32) -> (i32, i32, i32) {
    %c0_i32 = arith.constant 0 : i32
    %c0_i32_0 = arith.constant 0 : i32
    %c0_i32_1 = arith.constant 0 : i32
    return %c0_i32, %arg0, %c0_i32_0 : i32, i32, i32
  }
}

module attributes {stable_mosaic.version = 14 : i64} {
  func.func @_mid_body(%arg0: i32, %arg1: memref<2x2528x128xf32, #tpu.memory_space<vmem>>, %arg2: memref<2x2528x128xf32, #tpu.memory_space<vmem>>, %arg3: memref<1x256xf32, #tpu.memory_space<vmem>>, %arg4: memref<256x256xf32, #tpu.memory_space<vmem>>, %arg5: memref<2x2528x128xf32, #tpu.memory_space<vmem>>) attributes {dimension_semantics = [#tpu.dimension_semantics<arbitrary>], iteration_bounds = array<i64: 4>, scalar_prefetch = 0 : i64, scratch_operands = 0 : i64, tpu.core_type = #tpu.core_type<tc>, window_params = [{transform_indices = @transform_0, window_bounds = array<i64: 2, 2528, 128>}, {transform_indices = @transform_1, window_bounds = array<i64: 2, 2528, 128>}, {pipeline_mode = #tpu.pipeline_mode<synchronous>, transform_indices = @transform_2, window_bounds = array<i64: 1, 256>}, {pipeline_mode = #tpu.pipeline_mode<synchronous>, transform_indices = @transform_3, window_bounds = array<i64: 256, 256>}, {transform_indices = @transform_4, window_bounds = array<i64: 2, 2528, 128>}]} {
    %get3A = arith.constant 0 : index
    %get3A_0 = arith.constant 0 : index
    %get3A_1 = arith.constant 0 : index
    %get3A_2 = vector.load %arg2[%get3A, %get3A_0, %get3A_1] : memref<2x2528x128xf32, #tpu.memory_space<vmem>>, vector<1x2528x1xf32>
    %get3A_3 = vector.shape_cast %get3A_2 : vector<1x2528x1xf32> to vector<2528xf32>
    %get3A_4 = arith.constant 1 : index
    %get3A_5 = arith.constant 0 : index
    %get3A_6 = arith.constant 0 : index
    %get3A_7 = vector.load %arg2[%get3A_4, %get3A_5, %get3A_6] : memref<2x2528x128xf32, #tpu.memory_space<vmem>>, vector<1x2528x1xf32>
    %get3A_8 = vector.shape_cast %get3A_7 : vector<1x2528x1xf32> to vector<2528xf32>
    %add3A = arith.addf %get3A_3, %get3A_8 : vector<2528xf32>
    %add3A_9 = arith.constant 1.000000e+00 : f32
    %add3A_10 = vector.broadcast %add3A_9 : f32 to vector<2528xf32>
    %add3A_11 = arith.addf %add3A, %add3A_10 : vector<2528xf32>
    %rsqrt3A = math.rsqrt %add3A_11 : vector<2528xf32>
    %get3A_12 = arith.constant 0 : index
    %get3A_13 = arith.constant 0 : index
    %get3A_14 = arith.constant 0 : index
    %get3A_15 = vector.load %arg1[%get3A_12, %get3A_13, %get3A_14] : memref<2x2528x128xf32, #tpu.memory_space<vmem>>, vector<1x2528x128xf32>
    %get3A_16 = vector.shape_cast %get3A_15 : vector<1x2528x128xf32> to vector<2528x128xf32>
    %get3A_17 = arith.constant 1 : index
    %get3A_18 = arith.constant 0 : index
    %get3A_19 = arith.constant 0 : index
    %get3A_20 = vector.load %arg1[%get3A_17, %get3A_18, %get3A_19] : memref<2x2528x128xf32, #tpu.memory_space<vmem>>, vector<1x2528x128xf32>
    %get3A_21 = vector.shape_cast %get3A_20 : vector<1x2528x128xf32> to vector<2528x128xf32>
    %concatenate3A = tpu.concatenate %get3A_16, %get3A_21 in 1 : vector<2528x128xf32>, vector<2528x128xf32> -> vector<2528x256xf32>
    %broadcast_in_dim3A = vector.shape_cast %rsqrt3A : vector<2528xf32> to vector<2528x1xf32>
    %mul3A = vector.broadcast %broadcast_in_dim3A : vector<2528x1xf32> to vector<2528x256xf32>
    %mul3A_22 = arith.mulf %concatenate3A, %mul3A : vector<2528x256xf32>
    %get3A_23 = arith.constant 0 : index
    %get3A_24 = arith.constant 0 : index
    %get3A_25 = vector.load %arg3[%get3A_23, %get3A_24] : memref<1x256xf32, #tpu.memory_space<vmem>>, vector<1x256xf32>
    %add3A_26 = vector.broadcast %get3A_25 : vector<1x256xf32> to vector<2528x256xf32>
    %add3A_27 = arith.addf %mul3A_22, %add3A_26 : vector<2528x256xf32>
    %max3A = arith.constant 0.000000e+00 : f32
    %max3A_28 = vector.broadcast %max3A : f32 to vector<2528x256xf32>
    %max3A_29 = arith.maximumf %add3A_27, %max3A_28 : vector<2528x256xf32>
    %get3A_30 = arith.constant 0 : index
    %get3A_31 = arith.constant 0 : index
    %get3A_32 = vector.load %arg4[%get3A_30, %get3A_31] : memref<256x256xf32, #tpu.memory_space<vmem>>, vector<256x256xf32>
    %dot_general3A = arith.constant dense<0.000000e+00> : vector<2528x256xf32>
    %dot_general3A_33 = tpu.matmul %max3A_29, %get3A_32, %dot_general3A {dimension_numbers = #tpu.dot_dimension_numbers<[1], [0], [0], [1], [0, 0, 1, 1], [], []>, transpose_lhs_hint = false} : vector<2528x256xf32>, vector<256x256xf32>, vector<2528x256xf32> -> vector<2528x256xf32>
    %broadcast_in_dim3A_34 = vector.shape_cast %rsqrt3A : vector<2528xf32> to vector<2528x1xf32>
    %mul3A_35 = vector.broadcast %broadcast_in_dim3A_34 : vector<2528x1xf32> to vector<2528x256xf32>
    %mul3A_36 = arith.mulf %dot_general3A_33, %mul3A_35 : vector<2528x256xf32>
    %mul3A_37 = arith.constant 2528 : i32
    %mul3A_38 = arith.muli %arg0, %mul3A_37 : i32
    %iota3A = tpu.iota {dimensions = array<i32: 0>} : vector<2528x1xi32>
    %add3A_39 = vector.broadcast %mul3A_38 : i32 to vector<2528x1xi32>
    %add3A_40 = arith.addi %add3A_39, %iota3A : vector<2528x1xi32>
    %lt3A = arith.constant 10000 : i32
    %lt3A_41 = vector.broadcast %lt3A : i32 to vector<2528x1xi32>
    %lt3A_42 = arith.cmpi slt, %add3A_40, %lt3A_41 : vector<2528x1xi32>
    %jit3A = arith.constant 0.000000e+00 : f32
    %broadcast_in_dim3A_43 = vector.shape_cast %lt3A_42 : vector<2528x1xi1> to vector<2528x1xi1>
    %broadcast_in_dim3A_44 = vector.broadcast %broadcast_in_dim3A_43 : vector<2528x1xi1> to vector<2528x256xi1>
    %broadcast_in_dim3A_45 = vector.broadcast %jit3A : f32 to vector<2528x256xf32>
    %select_n3A = arith.select %broadcast_in_dim3A_44, %mul3A_36, %broadcast_in_dim3A_45 : vector<2528x256xi1>, vector<2528x256xf32>
    %slice3A = vector.extract_strided_slice %select_n3A {offsets = [0, 0], sizes = [2528, 128], strides = [1, 1]} : vector<2528x256xf32> to vector<2528x128xf32>
    %swap3A = arith.constant 0 : index
    %swap3A_46 = arith.constant 0 : index
    %swap3A_47 = arith.constant 0 : index
    %swap3A_48 = vector.load %arg5[%swap3A, %swap3A_46, %swap3A_47] : memref<2x2528x128xf32, #tpu.memory_space<vmem>>, vector<1x2528x128xf32>
    %swap3A_49 = vector.shape_cast %swap3A_48 : vector<1x2528x128xf32> to vector<2528x128xf32>
    %swap3A_50 = vector.shape_cast %slice3A : vector<2528x128xf32> to vector<1x2528x128xf32>
    tpu.vector_store %arg5[%swap3A, %swap3A_46, %swap3A_47], %swap3A_50 {strides = array<i32>} : memref<2x2528x128xf32, #tpu.memory_space<vmem>>, vector<1x2528x128xf32>,
    %slice3A_51 = vector.extract_strided_slice %select_n3A {offsets = [0, 128], sizes = [2528, 128], strides = [1, 1]} : vector<2528x256xf32> to vector<2528x128xf32>
    %swap3A_52 = arith.constant 1 : index
    %swap3A_53 = arith.constant 0 : index
    %swap3A_54 = arith.constant 0 : index
    %swap3A_55 = vector.load %arg5[%swap3A_52, %swap3A_53, %swap3A_54] : memref<2x2528x128xf32, #tpu.memory_space<vmem>>, vector<1x2528x128xf32>
    %swap3A_56 = vector.shape_cast %swap3A_55 : vector<1x2528x128xf32> to vector<2528x128xf32>
    %swap3A_57 = vector.shape_cast %slice3A_51 : vector<2528x128xf32> to vector<1x2528x128xf32>
    tpu.vector_store %arg5[%swap3A_52, %swap3A_53, %swap3A_54], %swap3A_57 {strides = array<i32>} : memref<2x2528x128xf32, #tpu.memory_space<vmem>>, vector<1x2528x128xf32>,
    return
  }
  func.func @transform_0(%arg0: i32) -> (i32, i32, i32) {
    %c0_i32 = arith.constant 0 : i32
    %c0_i32_0 = arith.constant 0 : i32
    %c0_i32_1 = arith.constant 0 : i32
    return %c0_i32, %arg0, %c0_i32_0 : i32, i32, i32
  }
  func.func @transform_1(%arg0: i32) -> (i32, i32, i32) {
    %c0_i32 = arith.constant 0 : i32
    %c0_i32_0 = arith.constant 0 : i32
    %c0_i32_1 = arith.constant 0 : i32
    return %c0_i32, %arg0, %c0_i32_0 : i32, i32, i32
  }
  func.func @transform_2(%arg0: i32) -> (i32, i32) {
    %c0_i32 = arith.constant 0 : i32
    %c0_i32_0 = arith.constant 0 : i32
    %c0_i32_1 = arith.constant 0 : i32
    return %c0_i32, %c0_i32_0 : i32, i32
  }
  func.func @transform_3(%arg0: i32) -> (i32, i32) {
    %c0_i32 = arith.constant 0 : i32
    %c0_i32_0 = arith.constant 0 : i32
    %c0_i32_1 = arith.constant 0 : i32
    return %c0_i32, %c0_i32_0 : i32, i32
  }
  func.func @transform_4(%arg0: i32) -> (i32, i32, i32) {
    %c0_i32 = arith.constant 0 : i32
    %c0_i32_0 = arith.constant 0 : i32
    %c0_i32_1 = arith.constant 0 : i32
    return %c0_i32, %arg0, %c0_i32_0 : i32, i32, i32
  }
}

module attributes {stable_mosaic.version = 14 : i64} {
  func.func @_out_body(%arg0: i32, %arg1: memref<2x2000x128xf32, #tpu.memory_space<vmem>>, %arg2: memref<2x2000x128xf32, #tpu.memory_space<vmem>>, %arg3: memref<1x256xf32, #tpu.memory_space<vmem>>, %arg4: memref<2000x256xf32, #tpu.memory_space<vmem>>) attributes {dimension_semantics = [#tpu.dimension_semantics<arbitrary>], iteration_bounds = array<i64: 5>, scalar_prefetch = 0 : i64, scratch_operands = 0 : i64, tpu.core_type = #tpu.core_type<tc>, window_params = [{transform_indices = @transform_0, window_bounds = array<i64: 2, 2000, 128>}, {transform_indices = @transform_1, window_bounds = array<i64: 2, 2000, 128>}, {pipeline_mode = #tpu.pipeline_mode<synchronous>, transform_indices = @transform_2, window_bounds = array<i64: 1, 256>}, {transform_indices = @transform_3, window_bounds = array<i64: 2000, 256>}]} {
    %get3A = arith.constant 0 : index
    %get3A_0 = arith.constant 0 : index
    %get3A_1 = arith.constant 0 : index
    %get3A_2 = vector.load %arg2[%get3A, %get3A_0, %get3A_1] : memref<2x2000x128xf32, #tpu.memory_space<vmem>>, vector<1x2000x1xf32>
    %get3A_3 = vector.shape_cast %get3A_2 : vector<1x2000x1xf32> to vector<2000xf32>
    %get3A_4 = arith.constant 1 : index
    %get3A_5 = arith.constant 0 : index
    %get3A_6 = arith.constant 0 : index
    %get3A_7 = vector.load %arg2[%get3A_4, %get3A_5, %get3A_6] : memref<2x2000x128xf32, #tpu.memory_space<vmem>>, vector<1x2000x1xf32>
    %get3A_8 = vector.shape_cast %get3A_7 : vector<1x2000x1xf32> to vector<2000xf32>
    %add3A = arith.addf %get3A_3, %get3A_8 : vector<2000xf32>
    %add3A_9 = arith.constant 1.000000e+00 : f32
    %add3A_10 = vector.broadcast %add3A_9 : f32 to vector<2000xf32>
    %add3A_11 = arith.addf %add3A, %add3A_10 : vector<2000xf32>
    %rsqrt3A = math.rsqrt %add3A_11 : vector<2000xf32>
    %get3A_12 = arith.constant 0 : index
    %get3A_13 = arith.constant 0 : index
    %get3A_14 = arith.constant 0 : index
    %get3A_15 = vector.load %arg1[%get3A_12, %get3A_13, %get3A_14] : memref<2x2000x128xf32, #tpu.memory_space<vmem>>, vector<1x2000x128xf32>
    %get3A_16 = vector.shape_cast %get3A_15 : vector<1x2000x128xf32> to vector<2000x128xf32>
    %get3A_17 = arith.constant 1 : index
    %get3A_18 = arith.constant 0 : index
    %get3A_19 = arith.constant 0 : index
    %get3A_20 = vector.load %arg1[%get3A_17, %get3A_18, %get3A_19] : memref<2x2000x128xf32, #tpu.memory_space<vmem>>, vector<1x2000x128xf32>
    %get3A_21 = vector.shape_cast %get3A_20 : vector<1x2000x128xf32> to vector<2000x128xf32>
    %concatenate3A = tpu.concatenate %get3A_16, %get3A_21 in 1 : vector<2000x128xf32>, vector<2000x128xf32> -> vector<2000x256xf32>
    %broadcast_in_dim3A = vector.shape_cast %rsqrt3A : vector<2000xf32> to vector<2000x1xf32>
    %mul3A = vector.broadcast %broadcast_in_dim3A : vector<2000x1xf32> to vector<2000x256xf32>
    %mul3A_22 = arith.mulf %concatenate3A, %mul3A : vector<2000x256xf32>
    %get3A_23 = arith.constant 0 : index
    %get3A_24 = arith.constant 0 : index
    %get3A_25 = vector.load %arg3[%get3A_23, %get3A_24] : memref<1x256xf32, #tpu.memory_space<vmem>>, vector<1x256xf32>
    %add3A_26 = vector.broadcast %get3A_25 : vector<1x256xf32> to vector<2000x256xf32>
    %add3A_27 = arith.addf %mul3A_22, %add3A_26 : vector<2000x256xf32>
    %max3A = arith.constant 0.000000e+00 : f32
    %max3A_28 = vector.broadcast %max3A : f32 to vector<2000x256xf32>
    %max3A_29 = arith.maximumf %add3A_27, %max3A_28 : vector<2000x256xf32>
    %swap3A = arith.constant 0 : index
    %swap3A_30 = arith.constant 0 : index
    %swap3A_31 = vector.load %arg4[%swap3A, %swap3A_30] : memref<2000x256xf32, #tpu.memory_space<vmem>>, vector<2000x256xf32>
    tpu.vector_store %arg4[%swap3A, %swap3A_30], %max3A_29 {strides = array<i32>} : memref<2000x256xf32, #tpu.memory_space<vmem>>, vector<2000x256xf32>,
    return
  }
  func.func @transform_0(%arg0: i32) -> (i32, i32, i32) {
    %c0_i32 = arith.constant 0 : i32
    %c0_i32_0 = arith.constant 0 : i32
    %c0_i32_1 = arith.constant 0 : i32
    return %c0_i32, %arg0, %c0_i32_0 : i32, i32, i32
  }
  func.func @transform_1(%arg0: i32) -> (i32, i32, i32) {
    %c0_i32 = arith.constant 0 : i32
    %c0_i32_0 = arith.constant 0 : i32
    %c0_i32_1 = arith.constant 0 : i32
    return %c0_i32, %arg0, %c0_i32_0 : i32, i32, i32
  }
  func.func @transform_2(%arg0: i32) -> (i32, i32) {
    %c0_i32 = arith.constant 0 : i32
    %c0_i32_0 = arith.constant 0 : i32
    %c0_i32_1 = arith.constant 0 : i32
    return %c0_i32, %c0_i32_0 : i32, i32
  }
  func.func @transform_3(%arg0: i32) -> (i32, i32) {
    %c0_i32 = arith.constant 0 : i32
    %c0_i32_0 = arith.constant 0 : i32
    return %arg0, %c0_i32 : i32, i32
  }
}

</mosaic_0001>

<sc_bundles>
// kernel: kernel.11.cloned.1.call-start
scs
__scs_entry_jumppad:
0x0: {  	(pc) =	sbr.rel $0x88, $3  }
0x1: {  	(tag) =	ssettag $0x0;
	lr =	simm.s32 $0x1  }
0x2: {  	[smem:$0x3F9B] =	sst lr;
	_ =	strace $0xD0000000  }
0x3: {  	_ = 	snop  }
0x4: {  	_ = 	snop  }
0x5: {  	_ = 	snop  }
0x6: {  	_ = 	snop  }
0x7: {  	_ = 	snop  }
__scs_overlays_trampoline_lowered:
0x8: {  	[smem:$0x3FAA] =	sst s0  }
0x9: {  	[smem:$0x3FAB] =	sst s1  }
0xa: {  	[smem:$0x3FAC] =	sst s2  }
0xb: {  	[smem:$0x3FAD] =	sst s3  }
0xc: {  	[smem:$0x3FAE] =	sst s4  }
0xd: {  	[smem:$0x3FAF] =	sst s5  }
0xe: {  	[smem:$0x3FB0] =	sst s6  }
0xf: {  	[smem:$0x3FB1] =	sst s7  }
0x10: {  	[smem:$0x3FB2] =	sst s8  }
0x11: {  	[smem:$0x3FB3] =	sst s9;
	s0 =	simm.s32 @!p0 $0x0  }
0x12: {  	s1 =	sld [smem:$0x3F99];
	s0 =	simm.s32 @p0 $0x1  }
0x13: {  	[smem:$0x3FB4] =	sst s0;
	s0 =	simm.s32 @!p1 $0x0  }
0x14: {  	s2 =	sld [smem:$0x3F98];
	s0 =	simm.s32 @p1 $0x1  }
0x15: {  	[smem:$0x3FB5] =	sst s0;
	s0 =	simm.s32 @!p2 $0x0  }
0x16: {  	s3 =	sld [smem:$0x3FDB];
	s0 =	simm.s32 @p2 $0x1  }
0x17: {  	s4 =	simm.s32 $0x1BF5;
	[smem:$0x3FB7] =	sst s0  }
0x18: {  	s0 =	sld [smem:$0x3F9A];
	_ =	swait.ge [sflag:s4], $0x0  }
0x19: {  	s7 =	sld [smem:$0x3F9B]  }
0x1a: {  	s8 =	sadd.s32 $0xFFFFE003, lr  }
0x1b: {  	s9 =	sadd.s32 $0xFFFFFEF7, lr;
	s5 =	simm.s32 $0xFFFFFFFF;
	p2 =	slt.u32 s8, $0xFFFFF086  }
0x1c: {  	p1 =	slt.u32 s9, $0xF7A;
	s5 =	simm.s32 @!p2 $0x0  }
0x1d: {  	s5 =	simm.s32 @p1 $0x1;
	p0 =	seq.s32 s7, s2  }
0x1e: {  	s7 =	smul.u32 @!p0 $0xF7A, s2;
	p2 =	seq.s32 @!p0 s5, $0x0  }
0x1f: {  	s9 =	smul.u32 $0xF7A, s1;
	s8 =	simm.s32 @!p0 $0x1BF5;
	p2 =	por !p2, p0  }
0x20: {  	[sflag:s8] =	ssyncset.s32 @!p0 $0xFFFFF086;
	s6 =	sadd.s32 @!p0 s3, s7;
	s7 =	simm.s32 @!p0 $0x108  }
0x21: {  	s3 =	sadd.s32 s3, s9;
	s6 =	sadd.s32 @!p0 $0x88, s6;
	s7 =	simm.s32 @p2 $0x1082  }
0x22: {  	[simem:s7], [sflag:s8] =	dma.local @!p0 [hbm:s6], $0xF7A  }
0x23: {  	s9 =	sor.u32 $0xD0000000, s2;
	s6 =	simm.s32 $0x108;
	_ =	swait.ge @!p0 [sflag:s8], $0x0  }
0x24: {  	s3 =	sadd.s32 $0x88, s3;
	s6 =	simm.s32 @!p1 $0x1082;
	[sflag:s4] =	ssyncset.s32 $0xFFFFF086  }
0x25: {  	[simem:s6], [sflag:s4] =	dma.local [hbm:s3], $0xF7A  }
0x26: {  	[smem:$0x3F9B] =	sst s1;
	(tag) =	ssettag s2;
	_ =	strace s9  }
0x27: {  	s1 =	sld [smem:$0x3FAB]  }
0x28: {  	s2 =	sld [smem:$0x3FAC]  }
0x29: {  	s4 =	sld [smem:$0x3FAE]  }
0x2a: {  	p0 =	seq.s32 s5, $0x0;
	s5 =	sld [smem:$0x3FAF]  }
0x2b: {  	s6 =	sld [smem:$0x3FB0]  }
0x2c: {  	s7 =	sld [smem:$0x3FB1]  }
0x2d: {  	s3 =	simm.s32 $0x108;
	s8 =	sld [smem:$0x3FB2]  }
0x2e: {  	s3 =	simm.s32 @!p0 $0x1082;
	s9 =	sld [smem:$0x3FB3]  }
0x2f: {  	lr =	sadd.s32 s0, s3;
	s0 =	sld [smem:$0x3FAA]  }
0x30: {  	s3 =	sld [smem:$0x3FAD]  }
0x31: {  	[smem:$0x3FB6] =	sst s10  }
0x32: {  	s10 =	sld [smem:$0x3FB4];
	_ =	sdelay $0x3  }
0x33: {  	p0 =	seq.s32 s10, $0x1;
	s10 =	sld [smem:$0x3FB6];
	_ =	sdelay $0x3  }
0x34: {  	[smem:$0x3FB6] =	sst s10  }
0x35: {  	s10 =	sld [smem:$0x3FB5];
	_ =	sdelay $0x3  }
0x36: {  	p1 =	seq.s32 s10, $0x1;
	s10 =	sld [smem:$0x3FB6];
	_ =	sdelay $0x3  }
0x37: {  	[smem:$0x3FB6] =	sst s10  }
0x38: {  	s10 =	sld [smem:$0x3FB7]  }
0x39: {  	_ = 	snop;
	(pc) =	sbr.ind lr, $3  }
0x3a: {  	_ = 	snop  }
0x3b: {  	_ = 	snop  }
0x3c: {  	p2 =	seq.s32 s10, $0x1;
	s10 =	sld [smem:$0x3FB6]  }
0x3d: {  	_ =	shalt  }
0x3e: {  	_ =	shalt  }
0x3f: {  	_ =	shalt  }
0x40: {  	_ =	shalt  }
0x41: {  	_ =	shalt  }
0x42: {  	_ =	shalt  }
0x43: {  	_ =	shalt  }
0x44: {  	_ =	shalt  }
0x45: {  	_ =	shalt  }
0x46: {  	_ =	shalt  }
0x47: {  	_ =	shalt  }
0x48: {  	_ =	shalt  }
0x49: {  	_ =	shalt  }
0x4a: {  	_ =	shalt  }
0x4b: {  	_ =	shalt  }
0x4c: {  	_ =	shalt  }
0x4d: {  	_ =	shalt  }
0x4e: {  	_ =	shalt  }
0x4f: {  	_ =	shalt  }
0x50: {  	_ =	shalt  }
0x51: {  	_ =	shalt  }
0x52: {  	_ =	shalt  }
0x53: {  	_ =	shalt  }
0x54: {  	_ =	shalt  }
0x55: {  	_ =	shalt  }
0x56: {  	_ =	shalt  }
0x57: {  	_ =	shalt  }
0x58: {  	_ =	shalt  }
0x59: {  	_ =	shalt  }
0x5a: {  	_ =	shalt  }
0x5b: {  	_ =	shalt  }
0x5c: {  	_ =	shalt  }
0x5d: {  	_ =	shalt  }
0x5e: {  	_ =	shalt  }
0x5f: {  	_ =	shalt  }
0x60: {  	_ =	shalt  }
0x61: {  	_ =	shalt  }
0x62: {  	_ =	shalt  }
0x63: {  	_ =	shalt  }
0x64: {  	_ =	shalt  }
0x65: {  	_ =	shalt  }
0x66: {  	_ =	shalt  }
0x67: {  	_ =	shalt  }
0x68: {  	_ =	shalt  }
0x69: {  	_ =	shalt  }
0x6a: {  	_ =	shalt  }
0x6b: {  	_ =	shalt  }
0x6c: {  	_ =	shalt  }
0x6d: {  	_ =	shalt  }
0x6e: {  	_ =	shalt  }
0x6f: {  	_ =	shalt  }
0x70: {  	_ =	shalt  }
0x71: {  	_ =	shalt  }
0x72: {  	_ =	shalt  }
0x73: {  	_ =	shalt  }
0x74: {  	_ =	shalt  }
0x75: {  	_ =	shalt  }
0x76: {  	_ =	shalt  }
0x77: {  	_ =	shalt  }
0x78: {  	_ =	shalt  }
0x79: {  	_ =	shalt  }
0x7a: {  	_ =	shalt  }
0x7b: {  	_ =	shalt  }
0x7c: {  	_ =	shalt  }
0x7d: {  	_ =	shalt  }
0x7e: {  	_ =	shalt  }
0x7f: {  	_ =	shalt  }
0x80: {  	_ =	shalt  }
0x81: {  	_ =	shalt  }
0x82: {  	_ =	shalt  }
0x83: {  	_ =	shalt  }
0x84: {  	_ =	shalt  }
0x85: {  	_ =	shalt  }
0x86: {  	_ =	shalt  }
0x87: {  	_ =	shalt  }
.Lfunc_end0:
.L_simem_size_0:
called_computation.1_lowered:
.L_overlay_start_0:
0x88: {  	s2 =	sld [smem:$0x3FD9]  }
0x89: {  	s3 =	sld [smem:$0x3FFE];
	_ =	sdelay $0x1  }
0x8a: {  	s1 =	srdreg.scid  }
0x8b: {  	s0 =	sand.u32 $0x1, s1  }
0x8c: {  	s17 =	sshll.u32 s0, $0xA;
	s2 =	sadd.s32 s3, s2  }
0x8d: {  	s2 =	sadd.s32 s2, s17  }
0x8e: {  	[smem:$0x3FC2] =	sst s2  }
0x8f: {  	_ = 	snop  }
0x90: {  	s2 =	sld [smem:$0x3FD0];
	(tm) =	ssettm $0x1  }
0x91: {  	s18 =	sld [smem:$0x3FFB];
	_ =	sdelay $0x3  }
0x92: {  	_ =	strace s18  }
0x93: {  	s3 =	sld [smem:$0x3FFC];
	_ =	sdelay $0x3  }
0x94: {  	_ =	strace s3  }
0x95: {  	s3 =	sld [smem:$0x3FFD];
	_ =	sdelay $0x3  }
0x96: {  	_ =	strace s3  }
0x97: {  	_ =	strace $0x8FFFFFFF  }
0x98: {  	s19 =	sld [smem:$0x3FDB];
	_ =	sdelay $0x1  }
0x99: {  	s4 =	simm.s32 $_scs_section_size  }
0x9a: {  	s5 =	simm.s32 $_size__tile_overlayer_lowered;
	s6 =	simm.s32 $_tile_overlayer_lowered  }
0x9b: {  	s22 =	simm.s32 $0x1BFF;
	s21 =	sshll.u32 s6, $0x1;
	s3 =	sadd.s32 s4, s19  }
0x9c: {  	s7 =	simm.s32 $0x0;
	s20 =	sshll.u32 s5, $0x1;
	s5 =	sadd.s32 s21, s3  }
0x9d: {  	[timem:s7], [sflag:s22] =	dma.local [hbm:s5], s20  }
0x9e: {  	_ =	swait.ge [sflag:s22], s20  }
0x9f: {  	s4 =	ssub.s32 $0x0, s20;
	[sflag:s22] =	ssyncset.done $0x0  }
0xa0: {  	[sflag:s22] =	ssyncadd.s32 s4;
	_ =	sdelay $0x1  }
0xa1: {  	s23 =	simm.s32 $0x1B8B  }
0xa2: {  	_ =	swait.ge [sflag:s23], $0x1  }
0xa3: {  	[sflag:s23] =	ssyncset.done $0x0  }
0xa4: {  	s25 =	simm.s32 $0x1B8E;
	s24 =	sld [smem:$0x3FFE];
	[sflag:s23] =	ssyncadd.s32 $0xFFFFFFFF  }
0xa5: {  	s26 =	simm.s32 $execute0_lowered;
	[smem:$0x3FD2] =	sst s25  }
0xa6: {  	s5 =	sshll.u32 s26, $0x1;
	_ =	strace $0x80000049;
	[dreg:$0x1] =	wrdreg $0xFFFFFFFF  }
0xa7: {  	s28 =	simm.s32 $_size_execute0_lowered;
	s3 =	sadd.s32 s3, s5;
	[dreg:$0x0] =	wrdreg $0x0  }
0xa8: {  	s5 =	sshll.u32 s28, $0x1;
	[dreg:$0x2] =	wrdreg s3  }
0xa9: {  	[dreg:$0x3] =	wrdreg s5  }
0xaa: {  	[dreg:$0x4] =	wrdreg $0xC0  }
0xab: {  	_ =	task [dreg:s7], $0x5FFFF  }
0xac: {  	[dreg:$0x1] =	wrdreg $0xFFFFFFFF  }
0xad: {  	[dreg:$0x0] =	wrdreg $0x60  }
0xae: {  	[dreg:$0x2] =	wrdreg s24  }
0xaf: {  	[dreg:$0x3] =	wrdreg s2  }
0xb0: {  	[dreg:$0x4] =	wrdreg $0xA8000  }
0xb1: {  	[dreg:$0x5] =	wrdreg $0x9  }
0xb2: {  	_ =	task.clear_ibuf [dreg:s7], $0x6FFFF;
	_ =	strace $0x90000049  }
0xb3: {  	s29 =	simm.s32 $0x9;
	_ =	strace $0x8000004B  }
0xb4: {  	_ =	swait.ge [sflag:s29], $0x1  }
0xb5: {  	[sflag:s29] =	ssyncadd.s32 $0xFFFFFFFF  }
0xb6: {  	_ =	strace $0x9000004B  }
0xb7: {  	_ =	sfence  }
0xb8: {  	s30 =	sld [smem:$0x0];
	_ =	sdelay $0x2  }
0xb9: {  	s31 =	sshll.u32 s1, $0xD;
	s1 =	sshrl.u32 s1, $0x2  }
0xba: {  	s3 =	sand.u32 $0x4000, s31;
	s1 =	sadd.s32 s1, s30  }
0xbb: {  	s0 =	sor.u32 s3, s0;
	s1 =	sshll.u32 s1, $0x11  }
0xbc: {  	s0 =	sor.u32 s1, s0  }
0xbd: {  	s0 =	sadd.s32 $0x8F2B, s0  }
0xbe: {  	[sflag:s0] =	ssyncadd.remote.s32 $0x1  }
0xbf: {  	_ =	sfence.sel $0xFFFF  }
0xc0: {  	[dreg:$0x0] =	wrdreg $0xFFFFFFFF;
	(pc) =	sbr.abs _section_cstart, $3  }
0xc1: {  	[dreg:$0x1] =	wrdreg $0xFFFFFFFF  }
0xc2: {  	_ =	task.clear_ibuf [dreg:s7], $0x2FFFF;
	_ =	strace $0x9FFFFFFF  }
0xc3: {  	(tm) =	ssettm $0x7FFFFFFF  }
tec
execute0_lowered:
.L_overlay_start_1:
0x0: {  	(tag) =	ssettag $0x1  }
0x1: {  	s7 =	rddreg [dreg:$0x0]  }
0x2: {  	s1 =	rddreg [dreg:$0x1]  }
0x3: {  	s2 =	rddreg [dreg:$0x2]  }
0x4: {  	s0 =	rddreg [dreg:$0x3];
	s4 =	simm.s32 $0x0;
	s3 =	srdreg.scid  }
0x5: {  	s16 =	simm.s32 $0x80;
	s17 =	simm.s32 $0x2800;
	s8 =	sand.u32 $0x1, s3  }
0x6: {  	s18 =	simm.s32 $0x6800;
	s3 =	stileid.u32;
	s9 =	smul.u32 $0x13C000, s8  }
0x7: {  	s19 =	simm.s32 $0x1;
	s20 =	simm.s32 $0x2;
	s10 =	smul.u32 $0x13C00, s3  }
0x8: {  	s21 =	simm.s32 $0x1380;
	s22 =	simm.s32 $0x2700;
	s11 =	smul.u32 $0x4F000, s3  }
0x9: {  	s23 =	simm.s32 $0x2780;
	[smem:$0x7FF] =	sst s4;
	s12 =	smul.u32 $0x27800, s8  }
0xa: {  	s5 =	sadd.s32 $0x68A00, s7;
	s6 =	sadd.s32 $0xCA00, s7;
	s14 =	smul.u32 $0x2780, s3  }
0xb: {  	_ =	strace $0x8000004A;
	s25 =	ssub.s32 $0x2, s8;
	s26 =	smul.u32 $0x50000, s8  }
0xc: {  	s31 =	sshll.u32 s3, $0x6;
	s13 =	sshrl.u32 s25, $0x1;
	s9 =	sadd.s32 s10, s9  }
0xd: {  	s13 =	ssub.s32 s25, s13;
	s28 =	sshrl.u32 s11, $0x2;
	s29 =	sadd.s32 s14, s12  }
0xe: {  	s14 =	simm.s32 $0x3;
	s9 =	sshrl.u32 s9, $0x3;
	s30 =	sadd.s32 s28, s2  }
0xf: {  	s8 =	sadd.s32 s5, s29;
	s15 =	sadd.s32 s9, s7;
	s7 =	smul.u32 $0x5000, s3  }
0x10: {  	s12 =	smax.u32 s13, $0x1;
	s9 =	sor.u32 $0x1C03, s31;
	s13 =	sshrl.u32 s30, $0x3  }
0x11: {  	s11 =	sadd.s32 $0xB7A00, s15;
	s15 =	simm.s32 $0x1400;
	s10 =	sadd.s32 s26, s7  }
.LBB2_1:
0x12: {  	[spmem:s13], [sflag:s9] =	dma.local [hbm:s8], $0x2780  }
0x13: {  	_ =	swait.ge [sflag:s14], $0x2780  }
0x14: {  	[sflag:s14] =	ssyncset.done $0x0  }
0x15: {  	[sflag:s14] =	ssyncadd.s32 $0xFFFFD880  }
0x16: {  	s24 =	simm.s32 $0x0;
	[bflag:$0x0] =	sbarrier.arrive $0xFFFF  }
.LBB2_2:
0x17: {  	s25 =	smul.u32 $0x1400, s24;
	_ =	sdelay $0x1  }
0x18: {  	s26 =	sadd.s32 s10, s25  }
0x19: {  	s26 =	sshrl.u32 s26, $0x3  }
0x1a: {  	s28 =	simm.s32 $0x0;
	s26 =	sadd.s32 s1, s26  }
0x1b: {  	[tilespmem:s28], [sflag:$0x3] =	stream.linear.gather [hbm4b:s26+s28], $0x1400, $0x38;
	[tilespmem:$0x1E400] =	vst v63  }
0x1c: {  	s25 =	sadd.s32 s7, s25;
	_ =	swait.ge [sflag:s14], $0x1400  }
0x1d: {  	s25 =	sshrl.u32 s25, $0x3;
	[sflag:s14] =	ssyncset.done $0x0  }
0x1e: {  	s25 =	sadd.s32 s6, s25;
	[sflag:s14] =	ssyncadd.s32 $0xFFFFEC00  }
0x1f: {  	[tilespmem:s15], [sflag:$0x3] =	stream.linear.gather [hbm4b:s25+s28], $0x1400, $0x38;
	[tilespmem:$0x1E400] =	vst v63  }
0x20: {  	_ =	swait.ge [sflag:s14], $0x1400  }
0x21: {  	[sflag:s14] =	ssyncset.done $0x0  }
0x22: {  	[sflag:s14] =	ssyncadd.s32 $0xFFFFEC00  }
0x23: {  	[tilespmem:s17], [sflag:$0x1] =	stream.indirect.gather [hbm4b:s5+s16], $0x80, s28, s16, $0xb8;
	[tilespmem:$0x1E400] =	vst v63  }
0x24: {  	s28 =	simm.s32 $0x80  }
0x25: {  	[tilespmem:s18], [sflag:$0x2] =	stream.indirect.gather [hbm4b:s5+s16], $0x80, s28, s16, $0xb8;
	[tilespmem:$0x1E400] =	vst v63  }
0x26: {  	_ =	swait.ge [sflag:s19], $0x4000  }
0x27: {  	[sflag:s19] =	ssyncset.done $0x0  }
0x28: {  	s29 =	simm.s32 $0x1400;
	[sflag:s19] =	ssyncadd.s32 $0xFFFFC000  }
0x29: {  	[spmem:s2] =	stream.indirect.scatter.add.f32 [tilespmem:s17], [sflag:$0x3], $0x80, s29, s16, $0xb8;
	[tilespmem:$0x1E400] =	vst v63  }
0x2a: {  	_ =	swait.ge [sflag:s14], $0x4000  }
0x2b: {  	[sflag:s14] =	ssyncset.done $0x0  }
0x2c: {  	s30 =	simm.s32 $0x100;
	[sflag:s14] =	ssyncadd.s32 $0xFFFFC000  }
0x2d: {  	[tilespmem:s17], [sflag:$0x1] =	stream.indirect.gather [hbm4b:s5+s16], $0x80, s30, s16, $0xb8;
	[tilespmem:$0x1E400] =	vst v63  }
0x2e: {  	_ =	swait.ge [sflag:s20], $0x4000  }
0x2f: {  	[sflag:s20] =	ssyncset.done $0x0  }
0x30: {  	s31 =	simm.s32 $0x1480;
	[sflag:s20] =	ssyncadd.s32 $0xFFFFC000  }
0x31: {  	[spmem:s2] =	stream.indirect.scatter.add.f32 [tilespmem:s18], [sflag:$0x3], $0x80, s31, s16, $0xb8;
	[tilespmem:$0x1E400] =	vst v63  }
0x32: {  	_ =	swait.ge [sflag:s14], $0x4000  }
0x33: {  	s26 =	simm.s32 $0x800;
	s25 =	simm.s32 $0x100;
	[sflag:s14] =	ssyncset.done $0x0  }
.LBB2_3:
0x34: {  	s28 =	sadd.s32 $0x80, s25  }
0x35: {  	[sflag:s14] =	ssyncadd.s32 $0xFFFFC000;
	s29 =	smov.u32 s26;
	s30 =	sadd.s32 $0x400, s26  }
0x36: {  	[tilespmem:s18], [sflag:$0x2] =	stream.indirect.gather [hbm4b:s5+s16], $0x80, s28, s16, $0xb8;
	[tilespmem:$0x1E400] =	vst v63  }
0x37: {  	p0 =	sne.s32 s26, $0x4800;
	_ =	swait.ge [sflag:s19], $0x4000  }
0x38: {  	[sflag:s19] =	ssyncset.done $0x0  }
0x39: {  	s26 =	sadd.s32 $0x1400, s25;
	[sflag:s19] =	ssyncadd.s32 $0xFFFFC000  }
0x3a: {  	[spmem:s2] =	stream.indirect.scatter.add.f32 [tilespmem:s17], [sflag:$0x3], $0x80, s26, s16, $0xb8;
	[tilespmem:$0x1E400] =	vst v63  }
0x3b: {  	_ =	swait.ge [sflag:s14], $0x4000  }
0x3c: {  	[sflag:s14] =	ssyncset.done $0x0  }
0x3d: {  	s26 =	sadd.s32 $0x100, s25;
	[sflag:s14] =	ssyncadd.s32 $0xFFFFC000  }
0x3e: {  	[tilespmem:s17], [sflag:$0x1] =	stream.indirect.gather [hbm4b:s5+s16], $0x80, s26, s16, $0xb8;
	[tilespmem:$0x1E400] =	vst v63  }
0x3f: {  	_ =	swait.ge [sflag:s20], $0x4000  }
.Ltmp0:
0x40: {  	[sflag:s20] =	ssyncset.done $0x0;
	(pc) =	sbr.rel @p0 .LBB2_3-.Ltmp0, $4  }
0x41: {  	s25 =	sadd.s32 $0x1480, s25;
	[sflag:s20] =	ssyncadd.s32 $0xFFFFC000  }
0x42: {  	[spmem:s2] =	stream.indirect.scatter.add.f32 [tilespmem:s18], [sflag:$0x3], $0x80, s25, s16, $0xb8;
	[tilespmem:$0x1E400] =	vst v63  }
0x43: {  	_ =	swait.ge [sflag:s14], $0x4000  }
0x44: {  	s26 =	smov.u32 s30;
	s25 =	sshra.s32 s29, $0x2;
	[sflag:s14] =	ssyncset.done $0x0  }
0x45: {  	s26 =	sadd.s32 $0x80, s25;
	[sflag:s14] =	ssyncadd.s32 $0xFFFFC000  }
0x46: {  	[tilespmem:s18], [sflag:$0x2] =	stream.indirect.gather [hbm4b:s5+s16], $0x80, s26, s16, $0xb8;
	[tilespmem:$0x1E400] =	vst v63  }
0x47: {  	_ =	swait.ge [sflag:s19], $0x4000  }
0x48: {  	[sflag:s19] =	ssyncset.done $0x0  }
0x49: {  	s29 =	sadd.s32 $0x1400, s25;
	[sflag:s19] =	ssyncadd.s32 $0xFFFFC000  }
0x4a: {  	[spmem:s2] =	stream.indirect.scatter.add.f32 [tilespmem:s17], [sflag:$0x3], $0x80, s29, s16, $0xb8;
	[tilespmem:$0x1E400] =	vst v63  }
0x4b: {  	_ =	swait.ge [sflag:s14], $0x4000  }
0x4c: {  	[sflag:s14] =	ssyncset.done $0x0  }
0x4d: {  	s30 =	sadd.s32 $0x100, s25;
	[sflag:s14] =	ssyncadd.s32 $0xFFFFC000  }
0x4e: {  	[tilespmem:s17], [sflag:$0x1] =	stream.indirect.gather [hbm4b:s5+s16], $0x80, s30, s16, $0xb8;
	[tilespmem:$0x1E400] =	vst v63  }
0x4f: {  	_ =	swait.ge [sflag:s20], $0x4000  }
0x50: {  	[sflag:s20] =	ssyncset.done $0x0  }
0x51: {  	s31 =	sadd.s32 $0x1480, s25;
	[sflag:s20] =	ssyncadd.s32 $0xFFFFC000  }
0x52: {  	[spmem:s2] =	stream.indirect.scatter.add.f32 [tilespmem:s18], [sflag:$0x3], $0x80, s31, s16, $0xb8;
	[tilespmem:$0x1E400] =	vst v63  }
0x53: {  	_ =	swait.ge [sflag:s14], $0x4000  }
0x54: {  	[sflag:s14] =	ssyncset.done $0x0  }
0x55: {  	[sflag:s14] =	ssyncadd.s32 $0xFFFFC000  }
0x56: {  	[tilespmem:s18], [sflag:$0x2] =	stream.indirect.gather [hbm4b:s5+s16], $0x80, s21, s16, $0xb8;
	[tilespmem:$0x1E400] =	vst v63  }
0x57: {  	_ =	swait.ge [sflag:s19], $0x4000  }
0x58: {  	[sflag:s19] =	ssyncset.done $0x0  }
0x59: {  	[sflag:s19] =	ssyncadd.s32 $0xFFFFC000  }
0x5a: {  	[spmem:s2] =	stream.indirect.scatter.add.f32 [tilespmem:s17], [sflag:$0x3], $0x80, s22, s16, $0xb8;
	[tilespmem:$0x1E400] =	vst v63  }
0x5b: {  	_ =	swait.ge [sflag:s14], $0x4000  }
0x5c: {  	[sflag:s14] =	ssyncset.done $0x0  }
0x5d: {  	[sflag:s14] =	ssyncadd.s32 $0xFFFFC000  }
0x5e: {  	s24 =	sadd.s32 $0x1, s24;
	_ =	swait.ge [sflag:s20], $0x4000  }
0x5f: {  	p0 =	sne.s32 s24, $0x4;
	[sflag:s20] =	ssyncset.done $0x0  }
.Ltmp1:
0x60: {  	[sflag:s20] =	ssyncadd.s32 $0xFFFFC000;
	(pc) =	sbr.rel @p0 .LBB2_2-.Ltmp1, $4  }
0x61: {  	[spmem:s2] =	stream.indirect.scatter.add.f32 [tilespmem:s18], [sflag:$0x3], $0x80, s23, s16, $0xb8;
	[tilespmem:$0x1E400] =	vst v63  }
0x62: {  	_ =	swait.ge [sflag:s14], $0x4000  }
0x63: {  	[sflag:s14] =	ssyncset.done $0x0  }
0x64: {  	[sflag:s14] =	ssyncadd.s32 $0xFFFFC000  }
0x65: {  	s4 =	sadd.s32 $0x1, s4  }
0x66: {  	p0 =	sne.s32 s4, s12  }
.Ltmp2:
0x67: {  	[bflag:$0x0] =	sbarrier.arrive $0xFFFF;
	(pc) =	sbr.rel @p0 .LBB2_1-.Ltmp2, $4  }
0x68: {  	[hbm:s11], [sflag:s9] =	dma.local [spmem:s13], $0x2780  }
0x69: {  	_ =	swait.ge [sflag:s14], $0x2780  }
0x6a: {  	[sflag:s14] =	ssyncset.done $0x0  }
0x6b: {  	[sflag:s14] =	ssyncadd.s32 $0xFFFFD880  }
0x6c: {  	_ =	sfence.sel $0x180000  }
0x6d: {  	[bflag:$0x0] =	sbarrier.arrive $0xFFFF  }
0x6e: {  	p0 =	sne.s32 s3, $0x0;
	_ =	strace $0x9000004A  }
0x6f: {  	s0 =	sadd.s32 @!p0 $0x100000, s0;
	[bflag:$0x2] =	sbarrier.arrive $0xFFFF  }
0x70: {  	[sflag:s0] =	ssyncadd.tile.s32 @!p0 $0x1;
	_ =	shalt  }
.Lfunc_end2:
_tile_overlayer_lowered:
.L_overlay_start_2:
0x71: {  	(tag) =	ssettag $0x2  }
0x72: {  	s0 =	rddreg [dreg:$0x0];
	s2 =	stileid.u32  }
0x73: {  	s1 =	rddreg [dreg:$0x1];
	p0 =	sne.s32 s2, $0x0  }
0x74: {  	s3 =	rddreg [dreg:$0x2];
	[bflag:$0x3] =	sbarrier.arrive $0xFFFF;
	s2 =	simm.s32 @!p0 $0x1C03  }
0x75: {  	[timem:s3], [sflag:s2] =	dma.local @!p0 [hbm:s0], s1  }
0x76: {  	s0 =	simm.s32 @!p0 $0x3  }
0x77: {  	_ =	swait.ge @!p0 [sflag:s0], s1  }
0x78: {  	s1 =	ssub.s32 @!p0 $0x0, s1;
	[sflag:s0] =	ssyncset.done @!p0 $0x0  }
0x79: {  	[sflag:s0] =	ssyncadd.s32 @!p0 s1  }
0x7a: {  	[bflag:$0x3] =	sbarrier.arrive $0xFFFF  }
0x7b: {  	_ =	shalt  }

// kernel: kernel.14.cloned.1.call-start
scs
__scs_entry_jumppad:
0x0: {  	(pc) =	sbr.rel $0x88, $3  }
0x1: {  	(tag) =	ssettag $0x0;
	lr =	simm.s32 $0x1  }
0x2: {  	[smem:$0x3F9B] =	sst lr;
	_ =	strace $0xD0000000  }
0x3: {  	_ = 	snop  }
0x4: {  	_ = 	snop  }
0x5: {  	_ = 	snop  }
0x6: {  	_ = 	snop  }
0x7: {  	_ = 	snop  }
__scs_overlays_trampoline_lowered:
0x8: {  	[smem:$0x3FAA] =	sst s0  }
0x9: {  	[smem:$0x3FAB] =	sst s1  }
0xa: {  	[smem:$0x3FAC] =	sst s2  }
0xb: {  	[smem:$0x3FAD] =	sst s3  }
0xc: {  	[smem:$0x3FAE] =	sst s4  }
0xd: {  	[smem:$0x3FAF] =	sst s5  }
0xe: {  	[smem:$0x3FB0] =	sst s6  }
0xf: {  	[smem:$0x3FB1] =	sst s7  }
0x10: {  	[smem:$0x3FB2] =	sst s8  }
0x11: {  	[smem:$0x3FB3] =	sst s9;
	s0 =	simm.s32 @!p0 $0x0  }
0x12: {  	s1 =	sld [smem:$0x3F99];
	s0 =	simm.s32 @p0 $0x1  }
0x13: {  	[smem:$0x3FB4] =	sst s0;
	s0 =	simm.s32 @!p1 $0x0  }
0x14: {  	s2 =	sld [smem:$0x3F98];
	s0 =	simm.s32 @p1 $0x1  }
0x15: {  	[smem:$0x3FB5] =	sst s0;
	s0 =	simm.s32 @!p2 $0x0  }
0x16: {  	s3 =	sld [smem:$0x3FDB];
	s0 =	simm.s32 @p2 $0x1  }
0x17: {  	s4 =	simm.s32 $0x1BF5;
	[smem:$0x3FB7] =	sst s0  }
0x18: {  	s0 =	sld [smem:$0x3F9A];
	_ =	swait.ge [sflag:s4], $0x0  }
0x19: {  	s7 =	sld [smem:$0x3F9B]  }
0x1a: {  	s8 =	sadd.s32 $0xFFFFE003, lr  }
0x1b: {  	s9 =	sadd.s32 $0xFFFFFEF7, lr;
	s5 =	simm.s32 $0xFFFFFFFF;
	p2 =	slt.u32 s8, $0xFFFFF086  }
0x1c: {  	p1 =	slt.u32 s9, $0xF7A;
	s5 =	simm.s32 @!p2 $0x0  }
0x1d: {  	s5 =	simm.s32 @p1 $0x1;
	p0 =	seq.s32 s7, s2  }
0x1e: {  	s7 =	smul.u32 @!p0 $0xF7A, s2;
	p2 =	seq.s32 @!p0 s5, $0x0  }
0x1f: {  	s9 =	smul.u32 $0xF7A, s1;
	s8 =	simm.s32 @!p0 $0x1BF5;
	p2 =	por !p2, p0  }
0x20: {  	[sflag:s8] =	ssyncset.s32 @!p0 $0xFFFFF086;
	s6 =	sadd.s32 @!p0 s3, s7;
	s7 =	simm.s32 @!p0 $0x108  }
0x21: {  	s3 =	sadd.s32 s3, s9;
	s6 =	sadd.s32 @!p0 $0x88, s6;
	s7 =	simm.s32 @p2 $0x1082  }
0x22: {  	[simem:s7], [sflag:s8] =	dma.local @!p0 [hbm:s6], $0xF7A  }
0x23: {  	s9 =	sor.u32 $0xD0000000, s2;
	s6 =	simm.s32 $0x108;
	_ =	swait.ge @!p0 [sflag:s8], $0x0  }
0x24: {  	s3 =	sadd.s32 $0x88, s3;
	s6 =	simm.s32 @!p1 $0x1082;
	[sflag:s4] =	ssyncset.s32 $0xFFFFF086  }
0x25: {  	[simem:s6], [sflag:s4] =	dma.local [hbm:s3], $0xF7A  }
0x26: {  	[smem:$0x3F9B] =	sst s1;
	(tag) =	ssettag s2;
	_ =	strace s9  }
0x27: {  	s1 =	sld [smem:$0x3FAB]  }
0x28: {  	s2 =	sld [smem:$0x3FAC]  }
0x29: {  	s4 =	sld [smem:$0x3FAE]  }
0x2a: {  	p0 =	seq.s32 s5, $0x0;
	s5 =	sld [smem:$0x3FAF]  }
0x2b: {  	s6 =	sld [smem:$0x3FB0]  }
0x2c: {  	s7 =	sld [smem:$0x3FB1]  }
0x2d: {  	s3 =	simm.s32 $0x108;
	s8 =	sld [smem:$0x3FB2]  }
0x2e: {  	s3 =	simm.s32 @!p0 $0x1082;
	s9 =	sld [smem:$0x3FB3]  }
0x2f: {  	lr =	sadd.s32 s0, s3;
	s0 =	sld [smem:$0x3FAA]  }
0x30: {  	s3 =	sld [smem:$0x3FAD]  }
0x31: {  	[smem:$0x3FB6] =	sst s10  }
0x32: {  	s10 =	sld [smem:$0x3FB4];
	_ =	sdelay $0x3  }
0x33: {  	p0 =	seq.s32 s10, $0x1;
	s10 =	sld [smem:$0x3FB6];
	_ =	sdelay $0x3  }
0x34: {  	[smem:$0x3FB6] =	sst s10  }
0x35: {  	s10 =	sld [smem:$0x3FB5];
	_ =	sdelay $0x3  }
0x36: {  	p1 =	seq.s32 s10, $0x1;
	s10 =	sld [smem:$0x3FB6];
	_ =	sdelay $0x3  }
0x37: {  	[smem:$0x3FB6] =	sst s10  }
0x38: {  	s10 =	sld [smem:$0x3FB7]  }
0x39: {  	_ = 	snop;
	(pc) =	sbr.ind lr, $3  }
0x3a: {  	_ = 	snop  }
0x3b: {  	_ = 	snop  }
0x3c: {  	p2 =	seq.s32 s10, $0x1;
	s10 =	sld [smem:$0x3FB6]  }
0x3d: {  	_ =	shalt  }
0x3e: {  	_ =	shalt  }
0x3f: {  	_ =	shalt  }
0x40: {  	_ =	shalt  }
0x41: {  	_ =	shalt  }
0x42: {  	_ =	shalt  }
0x43: {  	_ =	shalt  }
0x44: {  	_ =	shalt  }
0x45: {  	_ =	shalt  }
0x46: {  	_ =	shalt  }
0x47: {  	_ =	shalt  }
0x48: {  	_ =	shalt  }
0x49: {  	_ =	shalt  }
0x4a: {  	_ =	shalt  }
0x4b: {  	_ =	shalt  }
0x4c: {  	_ =	shalt  }
0x4d: {  	_ =	shalt  }
0x4e: {  	_ =	shalt  }
0x4f: {  	_ =	shalt  }
0x50: {  	_ =	shalt  }
0x51: {  	_ =	shalt  }
0x52: {  	_ =	shalt  }
0x53: {  	_ =	shalt  }
0x54: {  	_ =	shalt  }
0x55: {  	_ =	shalt  }
0x56: {  	_ =	shalt  }
0x57: {  	_ =	shalt  }
0x58: {  	_ =	shalt  }
0x59: {  	_ =	shalt  }
0x5a: {  	_ =	shalt  }
0x5b: {  	_ =	shalt  }
0x5c: {  	_ =	shalt  }
0x5d: {  	_ =	shalt  }
0x5e: {  	_ =	shalt  }
0x5f: {  	_ =	shalt  }
0x60: {  	_ =	shalt  }
0x61: {  	_ =	shalt  }
0x62: {  	_ =	shalt  }
0x63: {  	_ =	shalt  }
0x64: {  	_ =	shalt  }
0x65: {  	_ =	shalt  }
0x66: {  	_ =	shalt  }
0x67: {  	_ =	shalt  }
0x68: {  	_ =	shalt  }
0x69: {  	_ =	shalt  }
0x6a: {  	_ =	shalt  }
0x6b: {  	_ =	shalt  }
0x6c: {  	_ =	shalt  }
0x6d: {  	_ =	shalt  }
0x6e: {  	_ =	shalt  }
0x6f: {  	_ =	shalt  }
0x70: {  	_ =	shalt  }
0x71: {  	_ =	shalt  }
0x72: {  	_ =	shalt  }
0x73: {  	_ =	shalt  }
0x74: {  	_ =	shalt  }
0x75: {  	_ =	shalt  }
0x76: {  	_ =	shalt  }
0x77: {  	_ =	shalt  }
0x78: {  	_ =	shalt  }
0x79: {  	_ =	shalt  }
0x7a: {  	_ =	shalt  }
0x7b: {  	_ =	shalt  }
0x7c: {  	_ =	shalt  }
0x7d: {  	_ =	shalt  }
0x7e: {  	_ =	shalt  }
0x7f: {  	_ =	shalt  }
0x80: {  	_ =	shalt  }
0x81: {  	_ =	shalt  }
0x82: {  	_ =	shalt  }
0x83: {  	_ =	shalt  }
0x84: {  	_ =	shalt  }
0x85: {  	_ =	shalt  }
0x86: {  	_ =	shalt  }
0x87: {  	_ =	shalt  }
.Lfunc_end0:
.L_simem_size_0:
called_computation.2_lowered:
.L_overlay_start_0:
0x88: {  	s2 =	sld [smem:$0x3FD9]  }
0x89: {  	s3 =	sld [smem:$0x3FFE];
	_ =	sdelay $0x1  }
0x8a: {  	s1 =	srdreg.scid  }
0x8b: {  	s0 =	sand.u32 $0x1, s1  }
0x8c: {  	s17 =	sshll.u32 s0, $0xA;
	s2 =	sadd.s32 s3, s2  }
0x8d: {  	s2 =	sadd.s32 s2, s17  }
0x8e: {  	[smem:$0x3FC2] =	sst s2  }
0x8f: {  	_ = 	snop  }
0x90: {  	s2 =	sld [smem:$0x3FD0];
	(tm) =	ssettm $0x1  }
0x91: {  	s18 =	sld [smem:$0x3FFB];
	_ =	sdelay $0x3  }
0x92: {  	_ =	strace s18  }
0x93: {  	s3 =	sld [smem:$0x3FFC];
	_ =	sdelay $0x3  }
0x94: {  	_ =	strace s3  }
0x95: {  	s3 =	sld [smem:$0x3FFD];
	_ =	sdelay $0x3  }
0x96: {  	_ =	strace s3  }
0x97: {  	_ =	strace $0x8FFFFFFF  }
0x98: {  	s19 =	sld [smem:$0x3FDB];
	_ =	sdelay $0x1  }
0x99: {  	s4 =	simm.s32 $_scs_section_size  }
0x9a: {  	s5 =	simm.s32 $_size__tile_overlayer_lowered;
	s6 =	simm.s32 $_tile_overlayer_lowered  }
0x9b: {  	s22 =	simm.s32 $0x1BFF;
	s21 =	sshll.u32 s6, $0x1;
	s3 =	sadd.s32 s4, s19  }
0x9c: {  	s7 =	simm.s32 $0x0;
	s20 =	sshll.u32 s5, $0x1;
	s5 =	sadd.s32 s21, s3  }
0x9d: {  	[timem:s7], [sflag:s22] =	dma.local [hbm:s5], s20  }
0x9e: {  	_ =	swait.ge [sflag:s22], s20  }
0x9f: {  	s4 =	ssub.s32 $0x0, s20;
	[sflag:s22] =	ssyncset.done $0x0  }
0xa0: {  	[sflag:s22] =	ssyncadd.s32 s4;
	_ =	sdelay $0x1  }
0xa1: {  	s23 =	simm.s32 $0x1B8B  }
0xa2: {  	_ =	swait.ge [sflag:s23], $0x1  }
0xa3: {  	[sflag:s23] =	ssyncset.done $0x0  }
0xa4: {  	s25 =	simm.s32 $0x1B8E;
	s24 =	sld [smem:$0x3FFE];
	[sflag:s23] =	ssyncadd.s32 $0xFFFFFFFF  }
0xa5: {  	s26 =	simm.s32 $execute0_lowered;
	[smem:$0x3FD2] =	sst s25  }
0xa6: {  	s5 =	sshll.u32 s26, $0x1;
	_ =	strace $0x8000004C;
	[dreg:$0x1] =	wrdreg $0xFFFFFFFF  }
0xa7: {  	s28 =	simm.s32 $_size_execute0_lowered;
	s3 =	sadd.s32 s3, s5;
	[dreg:$0x0] =	wrdreg $0x0  }
0xa8: {  	s5 =	sshll.u32 s28, $0x1;
	[dreg:$0x2] =	wrdreg s3  }
0xa9: {  	[dreg:$0x3] =	wrdreg s5  }
0xaa: {  	[dreg:$0x4] =	wrdreg $0xC0  }
0xab: {  	_ =	task [dreg:s7], $0x5FFFF  }
0xac: {  	[dreg:$0x1] =	wrdreg $0xFFFFFFFF  }
0xad: {  	[dreg:$0x0] =	wrdreg $0x60  }
0xae: {  	[dreg:$0x2] =	wrdreg s24  }
0xaf: {  	[dreg:$0x3] =	wrdreg s2  }
0xb0: {  	[dreg:$0x4] =	wrdreg $0xA8000  }
0xb1: {  	[dreg:$0x5] =	wrdreg $0x9  }
0xb2: {  	_ =	task.clear_ibuf [dreg:s7], $0x6FFFF;
	_ =	strace $0x9000004C  }
0xb3: {  	s29 =	simm.s32 $0x9;
	_ =	strace $0x8000004E  }
0xb4: {  	_ =	swait.ge [sflag:s29], $0x1  }
0xb5: {  	[sflag:s29] =	ssyncadd.s32 $0xFFFFFFFF  }
0xb6: {  	_ =	strace $0x9000004E  }
0xb7: {  	_ =	sfence  }
0xb8: {  	s30 =	sld [smem:$0x0];
	_ =	sdelay $0x2  }
0xb9: {  	s31 =	sshll.u32 s1, $0xD;
	s1 =	sshrl.u32 s1, $0x2  }
0xba: {  	s3 =	sand.u32 $0x4000, s31;
	s1 =	sadd.s32 s1, s30  }
0xbb: {  	s0 =	sor.u32 s3, s0;
	s1 =	sshll.u32 s1, $0x11  }
0xbc: {  	s0 =	sor.u32 s1, s0  }
0xbd: {  	s0 =	sadd.s32 $0x8F2B, s0  }
0xbe: {  	[sflag:s0] =	ssyncadd.remote.s32 $0x1  }
0xbf: {  	_ =	sfence.sel $0xFFFF  }
0xc0: {  	[dreg:$0x0] =	wrdreg $0xFFFFFFFF;
	(pc) =	sbr.abs _section_cstart, $3  }
0xc1: {  	[dreg:$0x1] =	wrdreg $0xFFFFFFFF  }
0xc2: {  	_ =	task.clear_ibuf [dreg:s7], $0x2FFFF;
	_ =	strace $0x9FFFFFFF  }
0xc3: {  	(tm) =	ssettm $0x7FFFFFFF  }
tec
execute0_lowered:
.L_overlay_start_1:
0x0: {  	(tag) =	ssettag $0x1  }
0x1: {  	s7 =	rddreg [dreg:$0x0]  }
0x2: {  	s1 =	rddreg [dreg:$0x1]  }
0x3: {  	s2 =	rddreg [dreg:$0x2]  }
0x4: {  	s0 =	rddreg [dreg:$0x3];
	s4 =	simm.s32 $0x0;
	s3 =	srdreg.scid  }
0x5: {  	s16 =	simm.s32 $0x80;
	s17 =	simm.s32 $0x2800;
	s8 =	sand.u32 $0x1, s3  }
0x6: {  	s18 =	simm.s32 $0x6800;
	s3 =	stileid.u32;
	s9 =	smul.u32 $0x13C000, s8  }
0x7: {  	s19 =	simm.s32 $0x1;
	s20 =	simm.s32 $0x2;
	s10 =	smul.u32 $0x13C00, s3  }
0x8: {  	s21 =	simm.s32 $0x1380;
	s22 =	simm.s32 $0x2700;
	s11 =	smul.u32 $0x4F000, s3  }
0x9: {  	s23 =	simm.s32 $0x2780;
	[smem:$0x7FF] =	sst s4;
	s12 =	smul.u32 $0x27800, s8  }
0xa: {  	s5 =	sadd.s32 $0x68A00, s7;
	s6 =	sadd.s32 $0xCA00, s7;
	s14 =	smul.u32 $0x2780, s3  }
0xb: {  	_ =	strace $0x8000004D;
	s25 =	ssub.s32 $0x2, s8;
	s26 =	smul.u32 $0x50000, s8  }
0xc: {  	s31 =	sshll.u32 s3, $0x6;
	s13 =	sshrl.u32 s25, $0x1;
	s9 =	sadd.s32 s10, s9  }
0xd: {  	s13 =	ssub.s32 s25, s13;
	s28 =	sshrl.u32 s11, $0x2;
	s29 =	sadd.s32 s14, s12  }
0xe: {  	s14 =	simm.s32 $0x3;
	s9 =	sshrl.u32 s9, $0x3;
	s30 =	sadd.s32 s28, s2  }
0xf: {  	s8 =	sadd.s32 s5, s29;
	s15 =	sadd.s32 s9, s7;
	s7 =	smul.u32 $0x5000, s3  }
0x10: {  	s12 =	smax.u32 s13, $0x1;
	s9 =	sor.u32 $0x1C03, s31;
	s13 =	sshrl.u32 s30, $0x3  }
0x11: {  	s11 =	sadd.s32 $0xB7A00, s15;
	s15 =	simm.s32 $0x1400;
	s10 =	sadd.s32 s26, s7  }
.LBB2_1:
0x12: {  	[spmem:s13], [sflag:s9] =	dma.local [hbm:s8], $0x2780  }
0x13: {  	_ =	swait.ge [sflag:s14], $0x2780  }
0x14: {  	[sflag:s14] =	ssyncset.done $0x0  }
0x15: {  	[sflag:s14] =	ssyncadd.s32 $0xFFFFD880  }
0x16: {  	s24 =	simm.s32 $0x0;
	[bflag:$0x0] =	sbarrier.arrive $0xFFFF  }
.LBB2_2:
0x17: {  	s25 =	smul.u32 $0x1400, s24;
	_ =	sdelay $0x1  }
0x18: {  	s26 =	sadd.s32 s10, s25  }
0x19: {  	s26 =	sshrl.u32 s26, $0x3  }
0x1a: {  	s28 =	simm.s32 $0x0;
	s26 =	sadd.s32 s1, s26  }
0x1b: {  	[tilespmem:s28], [sflag:$0x3] =	stream.linear.gather [hbm4b:s26+s28], $0x1400, $0x38;
	[tilespmem:$0x1E400] =	vst v63  }
0x1c: {  	s25 =	sadd.s32 s7, s25;
	_ =	swait.ge [sflag:s14], $0x1400  }
0x1d: {  	s25 =	sshrl.u32 s25, $0x3;
	[sflag:s14] =	ssyncset.done $0x0  }
0x1e: {  	s25 =	sadd.s32 s6, s25;
	[sflag:s14] =	ssyncadd.s32 $0xFFFFEC00  }
0x1f: {  	[tilespmem:s15], [sflag:$0x3] =	stream.linear.gather [hbm4b:s25+s28], $0x1400, $0x38;
	[tilespmem:$0x1E400] =	vst v63  }
0x20: {  	_ =	swait.ge [sflag:s14], $0x1400  }
0x21: {  	[sflag:s14] =	ssyncset.done $0x0  }
0x22: {  	[sflag:s14] =	ssyncadd.s32 $0xFFFFEC00  }
0x23: {  	[tilespmem:s17], [sflag:$0x1] =	stream.indirect.gather [hbm4b:s5+s16], $0x80, s28, s16, $0xb8;
	[tilespmem:$0x1E400] =	vst v63  }
0x24: {  	s28 =	simm.s32 $0x80  }
0x25: {  	[tilespmem:s18], [sflag:$0x2] =	stream.indirect.gather [hbm4b:s5+s16], $0x80, s28, s16, $0xb8;
	[tilespmem:$0x1E400] =	vst v63  }
0x26: {  	_ =	swait.ge [sflag:s19], $0x4000  }
0x27: {  	[sflag:s19] =	ssyncset.done $0x0  }
0x28: {  	s29 =	simm.s32 $0x1400;
	[sflag:s19] =	ssyncadd.s32 $0xFFFFC000  }
0x29: {  	[spmem:s2] =	stream.indirect.scatter.add.f32 [tilespmem:s17], [sflag:$0x3], $0x80, s29, s16, $0xb8;
	[tilespmem:$0x1E400] =	vst v63  }
0x2a: {  	_ =	swait.ge [sflag:s14], $0x4000  }
0x2b: {  	[sflag:s14] =	ssyncset.done $0x0  }
0x2c: {  	s30 =	simm.s32 $0x100;
	[sflag:s14] =	ssyncadd.s32 $0xFFFFC000  }
0x2d: {  	[tilespmem:s17], [sflag:$0x1] =	stream.indirect.gather [hbm4b:s5+s16], $0x80, s30, s16, $0xb8;
	[tilespmem:$0x1E400] =	vst v63  }
0x2e: {  	_ =	swait.ge [sflag:s20], $0x4000  }
0x2f: {  	[sflag:s20] =	ssyncset.done $0x0  }
0x30: {  	s31 =	simm.s32 $0x1480;
	[sflag:s20] =	ssyncadd.s32 $0xFFFFC000  }
0x31: {  	[spmem:s2] =	stream.indirect.scatter.add.f32 [tilespmem:s18], [sflag:$0x3], $0x80, s31, s16, $0xb8;
	[tilespmem:$0x1E400] =	vst v63  }
0x32: {  	_ =	swait.ge [sflag:s14], $0x4000  }
0x33: {  	s26 =	simm.s32 $0x800;
	s25 =	simm.s32 $0x100;
	[sflag:s14] =	ssyncset.done $0x0  }
.LBB2_3:
0x34: {  	s28 =	sadd.s32 $0x80, s25  }
0x35: {  	[sflag:s14] =	ssyncadd.s32 $0xFFFFC000;
	s29 =	smov.u32 s26;
	s30 =	sadd.s32 $0x400, s26  }
0x36: {  	[tilespmem:s18], [sflag:$0x2] =	stream.indirect.gather [hbm4b:s5+s16], $0x80, s28, s16, $0xb8;
	[tilespmem:$0x1E400] =	vst v63  }
0x37: {  	p0 =	sne.s32 s26, $0x4800;
	_ =	swait.ge [sflag:s19], $0x4000  }
0x38: {  	[sflag:s19] =	ssyncset.done $0x0  }
0x39: {  	s26 =	sadd.s32 $0x1400, s25;
	[sflag:s19] =	ssyncadd.s32 $0xFFFFC000  }
0x3a: {  	[spmem:s2] =	stream.indirect.scatter.add.f32 [tilespmem:s17], [sflag:$0x3], $0x80, s26, s16, $0xb8;
	[tilespmem:$0x1E400] =	vst v63  }
0x3b: {  	_ =	swait.ge [sflag:s14], $0x4000  }
0x3c: {  	[sflag:s14] =	ssyncset.done $0x0  }
0x3d: {  	s26 =	sadd.s32 $0x100, s25;
	[sflag:s14] =	ssyncadd.s32 $0xFFFFC000  }
0x3e: {  	[tilespmem:s17], [sflag:$0x1] =	stream.indirect.gather [hbm4b:s5+s16], $0x80, s26, s16, $0xb8;
	[tilespmem:$0x1E400] =	vst v63  }
0x3f: {  	_ =	swait.ge [sflag:s20], $0x4000  }
.Ltmp0:
0x40: {  	[sflag:s20] =	ssyncset.done $0x0;
	(pc) =	sbr.rel @p0 .LBB2_3-.Ltmp0, $4  }
0x41: {  	s25 =	sadd.s32 $0x1480, s25;
	[sflag:s20] =	ssyncadd.s32 $0xFFFFC000  }
0x42: {  	[spmem:s2] =	stream.indirect.scatter.add.f32 [tilespmem:s18], [sflag:$0x3], $0x80, s25, s16, $0xb8;
	[tilespmem:$0x1E400] =	vst v63  }
0x43: {  	_ =	swait.ge [sflag:s14], $0x4000  }
0x44: {  	s26 =	smov.u32 s30;
	s25 =	sshra.s32 s29, $0x2;
	[sflag:s14] =	ssyncset.done $0x0  }
0x45: {  	s26 =	sadd.s32 $0x80, s25;
	[sflag:s14] =	ssyncadd.s32 $0xFFFFC000  }
0x46: {  	[tilespmem:s18], [sflag:$0x2] =	stream.indirect.gather [hbm4b:s5+s16], $0x80, s26, s16, $0xb8;
	[tilespmem:$0x1E400] =	vst v63  }
0x47: {  	_ =	swait.ge [sflag:s19], $0x4000  }
0x48: {  	[sflag:s19] =	ssyncset.done $0x0  }
0x49: {  	s29 =	sadd.s32 $0x1400, s25;
	[sflag:s19] =	ssyncadd.s32 $0xFFFFC000  }
0x4a: {  	[spmem:s2] =	stream.indirect.scatter.add.f32 [tilespmem:s17], [sflag:$0x3], $0x80, s29, s16, $0xb8;
	[tilespmem:$0x1E400] =	vst v63  }
0x4b: {  	_ =	swait.ge [sflag:s14], $0x4000  }
0x4c: {  	[sflag:s14] =	ssyncset.done $0x0  }
0x4d: {  	s30 =	sadd.s32 $0x100, s25;
	[sflag:s14] =	ssyncadd.s32 $0xFFFFC000  }
0x4e: {  	[tilespmem:s17], [sflag:$0x1] =	stream.indirect.gather [hbm4b:s5+s16], $0x80, s30, s16, $0xb8;
	[tilespmem:$0x1E400] =	vst v63  }
0x4f: {  	_ =	swait.ge [sflag:s20], $0x4000  }
0x50: {  	[sflag:s20] =	ssyncset.done $0x0  }
0x51: {  	s31 =	sadd.s32 $0x1480, s25;
	[sflag:s20] =	ssyncadd.s32 $0xFFFFC000  }
0x52: {  	[spmem:s2] =	stream.indirect.scatter.add.f32 [tilespmem:s18], [sflag:$0x3], $0x80, s31, s16, $0xb8;
	[tilespmem:$0x1E400] =	vst v63  }
0x53: {  	_ =	swait.ge [sflag:s14], $0x4000  }
0x54: {  	[sflag:s14] =	ssyncset.done $0x0  }
0x55: {  	[sflag:s14] =	ssyncadd.s32 $0xFFFFC000  }
0x56: {  	[tilespmem:s18], [sflag:$0x2] =	stream.indirect.gather [hbm4b:s5+s16], $0x80, s21, s16, $0xb8;
	[tilespmem:$0x1E400] =	vst v63  }
0x57: {  	_ =	swait.ge [sflag:s19], $0x4000  }
0x58: {  	[sflag:s19] =	ssyncset.done $0x0  }
0x59: {  	[sflag:s19] =	ssyncadd.s32 $0xFFFFC000  }
0x5a: {  	[spmem:s2] =	stream.indirect.scatter.add.f32 [tilespmem:s17], [sflag:$0x3], $0x80, s22, s16, $0xb8;
	[tilespmem:$0x1E400] =	vst v63  }
0x5b: {  	_ =	swait.ge [sflag:s14], $0x4000  }
0x5c: {  	[sflag:s14] =	ssyncset.done $0x0  }
0x5d: {  	[sflag:s14] =	ssyncadd.s32 $0xFFFFC000  }
0x5e: {  	s24 =	sadd.s32 $0x1, s24;
	_ =	swait.ge [sflag:s20], $0x4000  }
0x5f: {  	p0 =	sne.s32 s24, $0x4;
	[sflag:s20] =	ssyncset.done $0x0  }
.Ltmp1:
0x60: {  	[sflag:s20] =	ssyncadd.s32 $0xFFFFC000;
	(pc) =	sbr.rel @p0 .LBB2_2-.Ltmp1, $4  }
0x61: {  	[spmem:s2] =	stream.indirect.scatter.add.f32 [tilespmem:s18], [sflag:$0x3], $0x80, s23, s16, $0xb8;
	[tilespmem:$0x1E400] =	vst v63  }
0x62: {  	_ =	swait.ge [sflag:s14], $0x4000  }
0x63: {  	[sflag:s14] =	ssyncset.done $0x0  }
0x64: {  	[sflag:s14] =	ssyncadd.s32 $0xFFFFC000  }
0x65: {  	s4 =	sadd.s32 $0x1, s4  }
0x66: {  	p0 =	sne.s32 s4, s12  }
.Ltmp2:
0x67: {  	[bflag:$0x0] =	sbarrier.arrive $0xFFFF;
	(pc) =	sbr.rel @p0 .LBB2_1-.Ltmp2, $4  }
0x68: {  	[hbm:s11], [sflag:s9] =	dma.local [spmem:s13], $0x2780  }
0x69: {  	_ =	swait.ge [sflag:s14], $0x2780  }
0x6a: {  	[sflag:s14] =	ssyncset.done $0x0  }
0x6b: {  	[sflag:s14] =	ssyncadd.s32 $0xFFFFD880  }
0x6c: {  	_ =	sfence.sel $0x180000  }
0x6d: {  	[bflag:$0x0] =	sbarrier.arrive $0xFFFF  }
0x6e: {  	p0 =	sne.s32 s3, $0x0;
	_ =	strace $0x9000004D  }
0x6f: {  	s0 =	sadd.s32 @!p0 $0x100000, s0;
	[bflag:$0x2] =	sbarrier.arrive $0xFFFF  }
0x70: {  	[sflag:s0] =	ssyncadd.tile.s32 @!p0 $0x1;
	_ =	shalt  }
.Lfunc_end2:
_tile_overlayer_lowered:
.L_overlay_start_2:
0x71: {  	(tag) =	ssettag $0x2  }
0x72: {  	s0 =	rddreg [dreg:$0x0];
	s2 =	stileid.u32  }
0x73: {  	s1 =	rddreg [dreg:$0x1];
	p0 =	sne.s32 s2, $0x0  }
0x74: {  	s3 =	rddreg [dreg:$0x2];
	[bflag:$0x3] =	sbarrier.arrive $0xFFFF;
	s2 =	simm.s32 @!p0 $0x1C03  }
0x75: {  	[timem:s3], [sflag:s2] =	dma.local @!p0 [hbm:s0], s1  }
0x76: {  	s0 =	simm.s32 @!p0 $0x3  }
0x77: {  	_ =	swait.ge @!p0 [sflag:s0], s1  }
0x78: {  	s1 =	ssub.s32 @!p0 $0x0, s1;
	[sflag:s0] =	ssyncset.done @!p0 $0x0  }
0x79: {  	[sflag:s0] =	ssyncadd.s32 @!p0 s1  }
0x7a: {  	[bflag:$0x3] =	sbarrier.arrive $0xFFFF  }
0x7b: {  	_ =	shalt  }

// kernel: kernel.8.cloned.1.call-start
scs
__scs_entry_jumppad:
0x0: {  	(pc) =	sbr.rel $0x88, $3  }
0x1: {  	(tag) =	ssettag $0x0;
	lr =	simm.s32 $0x1  }
0x2: {  	[smem:$0x3F9B] =	sst lr;
	_ =	strace $0xD0000000  }
0x3: {  	_ = 	snop  }
0x4: {  	_ = 	snop  }
0x5: {  	_ = 	snop  }
0x6: {  	_ = 	snop  }
0x7: {  	_ = 	snop  }
__scs_overlays_trampoline_lowered:
0x8: {  	[smem:$0x3FAA] =	sst s0  }
0x9: {  	[smem:$0x3FAB] =	sst s1  }
0xa: {  	[smem:$0x3FAC] =	sst s2  }
0xb: {  	[smem:$0x3FAD] =	sst s3  }
0xc: {  	[smem:$0x3FAE] =	sst s4  }
0xd: {  	[smem:$0x3FAF] =	sst s5  }
0xe: {  	[smem:$0x3FB0] =	sst s6  }
0xf: {  	[smem:$0x3FB1] =	sst s7  }
0x10: {  	[smem:$0x3FB2] =	sst s8  }
0x11: {  	[smem:$0x3FB3] =	sst s9;
	s0 =	simm.s32 @!p0 $0x0  }
0x12: {  	s1 =	sld [smem:$0x3F99];
	s0 =	simm.s32 @p0 $0x1  }
0x13: {  	[smem:$0x3FB4] =	sst s0;
	s0 =	simm.s32 @!p1 $0x0  }
0x14: {  	s2 =	sld [smem:$0x3F98];
	s0 =	simm.s32 @p1 $0x1  }
0x15: {  	[smem:$0x3FB5] =	sst s0;
	s0 =	simm.s32 @!p2 $0x0  }
0x16: {  	s3 =	sld [smem:$0x3FDB];
	s0 =	simm.s32 @p2 $0x1  }
0x17: {  	s4 =	simm.s32 $0x1BF5;
	[smem:$0x3FB7] =	sst s0  }
0x18: {  	s0 =	sld [smem:$0x3F9A];
	_ =	swait.ge [sflag:s4], $0x0  }
0x19: {  	s7 =	sld [smem:$0x3F9B]  }
0x1a: {  	s8 =	sadd.s32 $0xFFFFE003, lr  }
0x1b: {  	s9 =	sadd.s32 $0xFFFFFEF7, lr;
	s5 =	simm.s32 $0xFFFFFFFF;
	p2 =	slt.u32 s8, $0xFFFFF086  }
0x1c: {  	p1 =	slt.u32 s9, $0xF7A;
	s5 =	simm.s32 @!p2 $0x0  }
0x1d: {  	s5 =	simm.s32 @p1 $0x1;
	p0 =	seq.s32 s7, s2  }
0x1e: {  	s7 =	smul.u32 @!p0 $0xF7A, s2;
	p2 =	seq.s32 @!p0 s5, $0x0  }
0x1f: {  	s9 =	smul.u32 $0xF7A, s1;
	s8 =	simm.s32 @!p0 $0x1BF5;
	p2 =	por !p2, p0  }
0x20: {  	[sflag:s8] =	ssyncset.s32 @!p0 $0xFFFFF086;
	s6 =	sadd.s32 @!p0 s3, s7;
	s7 =	simm.s32 @!p0 $0x108  }
0x21: {  	s3 =	sadd.s32 s3, s9;
	s6 =	sadd.s32 @!p0 $0x88, s6;
	s7 =	simm.s32 @p2 $0x1082  }
0x22: {  	[simem:s7], [sflag:s8] =	dma.local @!p0 [hbm:s6], $0xF7A  }
0x23: {  	s9 =	sor.u32 $0xD0000000, s2;
	s6 =	simm.s32 $0x108;
	_ =	swait.ge @!p0 [sflag:s8], $0x0  }
0x24: {  	s3 =	sadd.s32 $0x88, s3;
	s6 =	simm.s32 @!p1 $0x1082;
	[sflag:s4] =	ssyncset.s32 $0xFFFFF086  }
0x25: {  	[simem:s6], [sflag:s4] =	dma.local [hbm:s3], $0xF7A  }
0x26: {  	[smem:$0x3F9B] =	sst s1;
	(tag) =	ssettag s2;
	_ =	strace s9  }
0x27: {  	s1 =	sld [smem:$0x3FAB]  }
0x28: {  	s2 =	sld [smem:$0x3FAC]  }
0x29: {  	s4 =	sld [smem:$0x3FAE]  }
0x2a: {  	p0 =	seq.s32 s5, $0x0;
	s5 =	sld [smem:$0x3FAF]  }
0x2b: {  	s6 =	sld [smem:$0x3FB0]  }
0x2c: {  	s7 =	sld [smem:$0x3FB1]  }
0x2d: {  	s3 =	simm.s32 $0x108;
	s8 =	sld [smem:$0x3FB2]  }
0x2e: {  	s3 =	simm.s32 @!p0 $0x1082;
	s9 =	sld [smem:$0x3FB3]  }
0x2f: {  	lr =	sadd.s32 s0, s3;
	s0 =	sld [smem:$0x3FAA]  }
0x30: {  	s3 =	sld [smem:$0x3FAD]  }
0x31: {  	[smem:$0x3FB6] =	sst s10  }
0x32: {  	s10 =	sld [smem:$0x3FB4];
	_ =	sdelay $0x3  }
0x33: {  	p0 =	seq.s32 s10, $0x1;
	s10 =	sld [smem:$0x3FB6];
	_ =	sdelay $0x3  }
0x34: {  	[smem:$0x3FB6] =	sst s10  }
0x35: {  	s10 =	sld [smem:$0x3FB5];
	_ =	sdelay $0x3  }
0x36: {  	p1 =	seq.s32 s10, $0x1;
	s10 =	sld [smem:$0x3FB6];
	_ =	sdelay $0x3  }
0x37: {  	[smem:$0x3FB6] =	sst s10  }
0x38: {  	s10 =	sld [smem:$0x3FB7]  }
0x39: {  	_ = 	snop;
	(pc) =	sbr.ind lr, $3  }
0x3a: {  	_ = 	snop  }
0x3b: {  	_ = 	snop  }
0x3c: {  	p2 =	seq.s32 s10, $0x1;
	s10 =	sld [smem:$0x3FB6]  }
0x3d: {  	_ =	shalt  }
0x3e: {  	_ =	shalt  }
0x3f: {  	_ =	shalt  }
0x40: {  	_ =	shalt  }
0x41: {  	_ =	shalt  }
0x42: {  	_ =	shalt  }
0x43: {  	_ =	shalt  }
0x44: {  	_ =	shalt  }
0x45: {  	_ =	shalt  }
0x46: {  	_ =	shalt  }
0x47: {  	_ =	shalt  }
0x48: {  	_ =	shalt  }
0x49: {  	_ =	shalt  }
0x4a: {  	_ =	shalt  }
0x4b: {  	_ =	shalt  }
0x4c: {  	_ =	shalt  }
0x4d: {  	_ =	shalt  }
0x4e: {  	_ =	shalt  }
0x4f: {  	_ =	shalt  }
0x50: {  	_ =	shalt  }
0x51: {  	_ =	shalt  }
0x52: {  	_ =	shalt  }
0x53: {  	_ =	shalt  }
0x54: {  	_ =	shalt  }
0x55: {  	_ =	shalt  }
0x56: {  	_ =	shalt  }
0x57: {  	_ =	shalt  }
0x58: {  	_ =	shalt  }
0x59: {  	_ =	shalt  }
0x5a: {  	_ =	shalt  }
0x5b: {  	_ =	shalt  }
0x5c: {  	_ =	shalt  }
0x5d: {  	_ =	shalt  }
0x5e: {  	_ =	shalt  }
0x5f: {  	_ =	shalt  }
0x60: {  	_ =	shalt  }
0x61: {  	_ =	shalt  }
0x62: {  	_ =	shalt  }
0x63: {  	_ =	shalt  }
0x64: {  	_ =	shalt  }
0x65: {  	_ =	shalt  }
0x66: {  	_ =	shalt  }
0x67: {  	_ =	shalt  }
0x68: {  	_ =	shalt  }
0x69: {  	_ =	shalt  }
0x6a: {  	_ =	shalt  }
0x6b: {  	_ =	shalt  }
0x6c: {  	_ =	shalt  }
0x6d: {  	_ =	shalt  }
0x6e: {  	_ =	shalt  }
0x6f: {  	_ =	shalt  }
0x70: {  	_ =	shalt  }
0x71: {  	_ =	shalt  }
0x72: {  	_ =	shalt  }
0x73: {  	_ =	shalt  }
0x74: {  	_ =	shalt  }
0x75: {  	_ =	shalt  }
0x76: {  	_ =	shalt  }
0x77: {  	_ =	shalt  }
0x78: {  	_ =	shalt  }
0x79: {  	_ =	shalt  }
0x7a: {  	_ =	shalt  }
0x7b: {  	_ =	shalt  }
0x7c: {  	_ =	shalt  }
0x7d: {  	_ =	shalt  }
0x7e: {  	_ =	shalt  }
0x7f: {  	_ =	shalt  }
0x80: {  	_ =	shalt  }
0x81: {  	_ =	shalt  }
0x82: {  	_ =	shalt  }
0x83: {  	_ =	shalt  }
0x84: {  	_ =	shalt  }
0x85: {  	_ =	shalt  }
0x86: {  	_ =	shalt  }
0x87: {  	_ =	shalt  }
.Lfunc_end0:
.L_simem_size_0:
called_computation_lowered:
.L_overlay_start_0:
0x88: {  	s2 =	sld [smem:$0x3FD9]  }
0x89: {  	s3 =	sld [smem:$0x3FFE];
	_ =	sdelay $0x1  }
0x8a: {  	s1 =	srdreg.scid  }
0x8b: {  	s0 =	sand.u32 $0x1, s1  }
0x8c: {  	s16 =	sshll.u32 s0, $0xA;
	s2 =	sadd.s32 s3, s2  }
0x8d: {  	s2 =	sadd.s32 s2, s16  }
0x8e: {  	[smem:$0x3FC2] =	sst s2  }
0x8f: {  	_ = 	snop  }
0x90: {  	(tm) =	ssettm $0x1  }
0x91: {  	s17 =	sld [smem:$0x3FFB];
	_ =	sdelay $0x3  }
0x92: {  	_ =	strace s17  }
0x93: {  	s2 =	sld [smem:$0x3FFC];
	_ =	sdelay $0x3  }
0x94: {  	_ =	strace s2  }
0x95: {  	s2 =	sld [smem:$0x3FFD];
	_ =	sdelay $0x3  }
0x96: {  	_ =	strace s2  }
0x97: {  	_ =	strace $0x8FFFFFFF  }
0x98: {  	s18 =	sld [smem:$0x3FDB];
	_ =	sdelay $0x1  }
0x99: {  	s19 =	simm.s32 $_scs_section_size  }
0x9a: {  	s4 =	simm.s32 $_size__tile_overlayer_lowered;
	s5 =	simm.s32 $_tile_overlayer_lowered  }
0x9b: {  	s22 =	simm.s32 $0x1BFF;
	s21 =	sshll.u32 s5, $0x1;
	s2 =	sadd.s32 s19, s18  }
0x9c: {  	s6 =	simm.s32 $0x0;
	s20 =	sshll.u32 s4, $0x1;
	s4 =	sadd.s32 s21, s2  }
0x9d: {  	[timem:s6], [sflag:s22] =	dma.local [hbm:s4], s20  }
0x9e: {  	_ =	swait.ge [sflag:s22], s20  }
0x9f: {  	s3 =	ssub.s32 $0x0, s20;
	[sflag:s22] =	ssyncset.done $0x0  }
0xa0: {  	[sflag:s22] =	ssyncadd.s32 s3;
	_ =	sdelay $0x1  }
0xa1: {  	s23 =	simm.s32 $0x1B8B  }
0xa2: {  	_ =	swait.ge [sflag:s23], $0x1  }
0xa3: {  	[sflag:s23] =	ssyncset.done $0x0  }
0xa4: {  	s25 =	simm.s32 $0x1B8E;
	s24 =	sld [smem:$0x3FFE];
	[sflag:s23] =	ssyncadd.s32 $0xFFFFFFFF  }
0xa5: {  	s26 =	simm.s32 $execute0_lowered;
	[smem:$0x3FD2] =	sst s25  }
0xa6: {  	s4 =	sshll.u32 s26, $0x1;
	_ =	strace $0x80000046;
	[dreg:$0x1] =	wrdreg $0xFFFFFFFF  }
0xa7: {  	s28 =	simm.s32 $_size_execute0_lowered;
	s2 =	sadd.s32 s2, s4;
	[dreg:$0x0] =	wrdreg $0x0  }
0xa8: {  	s4 =	sshll.u32 s28, $0x1;
	[dreg:$0x2] =	wrdreg s2  }
0xa9: {  	[dreg:$0x3] =	wrdreg s4  }
0xaa: {  	[dreg:$0x4] =	wrdreg $0xC0  }
0xab: {  	_ =	task [dreg:s6], $0x5FFFF  }
0xac: {  	[dreg:$0x1] =	wrdreg $0xFFFFFFFF  }
0xad: {  	[dreg:$0x0] =	wrdreg $0x60  }
0xae: {  	[dreg:$0x2] =	wrdreg s24  }
0xaf: {  	[dreg:$0x3] =	wrdreg $0x68000  }
0xb0: {  	[dreg:$0x4] =	wrdreg $0x9  }
0xb1: {  	_ =	task.clear_ibuf [dreg:s6], $0x5FFFF;
	_ =	strace $0x90000046  }
0xb2: {  	s29 =	simm.s32 $0x9;
	_ =	strace $0x80000048  }
0xb3: {  	_ =	swait.ge [sflag:s29], $0x1  }
0xb4: {  	[sflag:s29] =	ssyncadd.s32 $0xFFFFFFFF  }
0xb5: {  	_ =	strace $0x90000048  }
0xb6: {  	_ =	sfence  }
0xb7: {  	s30 =	sld [smem:$0x0];
	_ =	sdelay $0x2  }
0xb8: {  	s31 =	sshll.u32 s1, $0xD;
	s1 =	sshrl.u32 s1, $0x2  }
0xb9: {  	s3 =	sand.u32 $0x4000, s31;
	s1 =	sadd.s32 s1, s30  }
0xba: {  	s0 =	sor.u32 s3, s0;
	s1 =	sshll.u32 s1, $0x11  }
0xbb: {  	s0 =	sor.u32 s1, s0  }
0xbc: {  	s0 =	sadd.s32 $0x8F2B, s0  }
0xbd: {  	[sflag:s0] =	ssyncadd.remote.s32 $0x1  }
0xbe: {  	_ =	sfence.sel $0xFFFF  }
0xbf: {  	[dreg:$0x0] =	wrdreg $0xFFFFFFFF;
	(pc) =	sbr.abs _section_cstart, $3  }
0xc0: {  	[dreg:$0x1] =	wrdreg $0xFFFFFFFF  }
0xc1: {  	_ =	task.clear_ibuf [dreg:s6], $0x2FFFF;
	_ =	strace $0x9FFFFFFF  }
0xc2: {  	(tm) =	ssettm $0x7FFFFFFF  }
0xc3: {  	_ =	shalt  }
tec
execute0_lowered:
.L_overlay_start_1:
0x0: {  	(tag) =	ssettag $0x1  }
0x1: {  	s6 =	rddreg [dreg:$0x0]  }
0x2: {  	s0 =	srdreg.scid;
	s2 =	rddreg [dreg:$0x1]  }
0x3: {  	s1 =	rddreg [dreg:$0x2];
	s5 =	sand.u32 $0x1, s0  }
0x4: {  	s3 =	simm.s32 $0x0;
	s0 =	stileid.u32;
	s4 =	smul.u32 $0x28000, s5  }
0x5: {  	s13 =	simm.s32 $0x80;
	s14 =	simm.s32 $0x1;
	s7 =	smul.u32 $0x2800, s0  }
0x6: {  	s15 =	simm.s32 $0x0;
	[smem:$0x7FF] =	sst s3;
	s29 =	smul.u32 $0x13C000, s5  }
0x7: {  	s8 =	smul.u32 $0x13C00, s0;
	_ =	strace $0x80000047;
	s30 =	ssub.s32 $0x2, s5  }
0x8: {  	s10 =	smul.u32 $0x4F000, s0;
	s5 =	sadd.s32 $0x17200, s6;
	s31 =	sshll.u32 s0, $0x6  }
0x9: {  	s11 =	sshrl.u32 s30, $0x1;
	s4 =	sadd.s32 s7, s4;
	s7 =	sadd.s32 s8, s29  }
0xa: {  	s8 =	ssub.s32 s30, s11;
	s10 =	sshrl.u32 s10, $0x2;
	s11 =	sor.u32 $0x1C02, s31  }
0xb: {  	s4 =	sshrl.u32 s4, $0x3;
	s7 =	sshrl.u32 s7, $0x3;
	s12 =	sadd.s32 s10, s2  }
0xc: {  	s8 =	smax.u32 s8, $0x1;
	s10 =	simm.s32 $0x2800;
	s9 =	sadd.s32 s4, s6  }
0xd: {  	s4 =	sadd.s32 $0x16A00, s6;
	s7 =	sadd.s32 s7, s6;
	s12 =	sshrl.u32 s12, $0x3  }
0xe: {  	s6 =	sadd.s32 $0x2A00, s9;
	s7 =	sadd.s32 $0x19A00, s7;
	s9 =	simm.s32 $0x2  }
.LBB2_1:
0xf: {  	[tilespmem:s3], [sflag:$0x2] =	stream.linear.gather [hbm4b:s6+s3], $0x2800, $0x38;
	[tilespmem:$0x1A400] =	vst v63  }
0x10: {  	_ =	swait.ge [sflag:s9], $0x2800  }
0x11: {  	[sflag:s9] =	ssyncset.done $0x0  }
0x12: {  	[sflag:s9] =	ssyncadd.s32 $0xFFFFD800  }
0x13: {  	[tilespmem:s10], [sflag:$0x2] =	stream.linear.gather [hbm4b:s4+s3], $0x4000, $0x38;
	[tilespmem:$0x1A400] =	vst v63  }
0x14: {  	_ =	swait.ge [sflag:s9], $0x4000  }
0x15: {  	[sflag:s9] =	ssyncset.done $0x0  }
0x16: {  	[sflag:s9] =	ssyncadd.s32 $0xFFFFC000  }
0x17: {  	[spmem:s12], [sflag:s11] =	dma.local [hbm:s5], $0x2780  }
0x18: {  	_ =	swait.ge [sflag:s9], $0x2780  }
0x19: {  	[sflag:s9] =	ssyncset.done $0x0  }
0x1a: {  	[sflag:s9] =	ssyncadd.s32 $0xFFFFD880  }
0x1b: {  	s16 =	simm.s32 $0x0;
	[bflag:$0x0] =	sbarrier.arrive $0xFFFF  }
.LBB2_2:
0x1c: {  	p0 =	sne.s32 s16, $0x9E00  }
.Ltmp0:
0x1d: {  	_ = 	snop;
	(pc) =	sbr.rel @p0 .LBB2_2-.Ltmp0, $3  }
0x1e: {  	_ =	sdelay $0x1  }
0x1f: {  	s17 =	sshra.s32 s16, $0x2;
	s16 =	sadd.s32 $0x200, s16  }
0x20: {  	[spmem:s2] =	stream.indirect.scatter.add.f32 [tilespmem:s10], [sflag:$0x1], $0x80, s17, s13, $0xb8;
	[tilespmem:$0x1A400] =	vst v63  }
0x21: {  	_ =	swait.ge [sflag:s14], $0x4000  }
0x22: {  	s16 =	simm.s32 $0x4F;
	[sflag:s14] =	ssyncset.done $0x0  }
.LBB2_4:
0x23: {  	p0 =	sne.s32 s16, $0x1;
	s16 =	sadd.s32 $0xFFFFFFFF, s16;
	[sflag:s14] =	ssyncadd.s32 $0xFFFFC000  }
.Ltmp1:
0x24: {  	(pc) =	sbr.rel @p0 .LBB2_4-.Ltmp1, $3  }
0x25: {  	_ =	sdelay $0x1  }
0x26: {  	_ =	swait.ge [sflag:s14], $0x4000  }
0x27: {  	[sflag:s14] =	ssyncset.done $0x0  }
0x28: {  	s15 =	sadd.s32 $0x1, s15  }
0x29: {  	[sflag:s14] =	ssyncadd.s32 $0xFFFFC000;
	p0 =	sne.s32 s15, s8  }
.Ltmp2:
0x2a: {  	[bflag:$0x0] =	sbarrier.arrive $0xFFFF;
	(pc) =	sbr.rel @p0 .LBB2_1-.Ltmp2, $4  }
0x2b: {  	[hbm:s7], [sflag:s11] =	dma.local [spmem:s12], $0x2780  }
0x2c: {  	_ =	swait.ge [sflag:s9], $0x2780  }
0x2d: {  	[sflag:s9] =	ssyncset.done $0x0  }
0x2e: {  	[sflag:s9] =	ssyncadd.s32 $0xFFFFD880  }
0x2f: {  	_ =	sfence.sel $0x180000  }
0x30: {  	[bflag:$0x0] =	sbarrier.arrive $0xFFFF  }
0x31: {  	p0 =	sne.s32 s0, $0x0;
	_ =	strace $0x90000047  }
0x32: {  	s0 =	sadd.s32 @!p0 $0x100000, s1;
	[bflag:$0x2] =	sbarrier.arrive $0xFFFF  }
0x33: {  	[sflag:s0] =	ssyncadd.tile.s32 @!p0 $0x1;
	_ =	shalt  }
.Lfunc_end2:
_tile_overlayer_lowered:
.L_overlay_start_2:
0x34: {  	(tag) =	ssettag $0x2  }
0x35: {  	s0 =	rddreg [dreg:$0x0];
	s2 =	stileid.u32  }
0x36: {  	s1 =	rddreg [dreg:$0x1];
	p0 =	sne.s32 s2, $0x0  }
0x37: {  	s3 =	rddreg [dreg:$0x2];
	[bflag:$0x3] =	sbarrier.arrive $0xFFFF;
	s2 =	simm.s32 @!p0 $0x1C02  }
0x38: {  	[timem:s3], [sflag:s2] =	dma.local @!p0 [hbm:s0], s1  }
0x39: {  	s0 =	simm.s32 @!p0 $0x2  }
0x3a: {  	_ =	swait.ge @!p0 [sflag:s0], s1  }
0x3b: {  	s1 =	ssub.s32 @!p0 $0x0, s1;
	[sflag:s0] =	ssyncset.done @!p0 $0x0  }
0x3c: {  	[sflag:s0] =	ssyncadd.s32 @!p0 s1  }
0x3d: {  	[bflag:$0x3] =	sbarrier.arrive $0xFFFF  }
0x3e: {  	_ =	shalt  }

</sc_bundles>
